<compile_context>
chip_gen: v7x
topology: tpu7x:2x2x1
jax: 0.10.2.dev20260603
libtpu: 0.0.44.dev20260713+nightly
codegen_flags: <defaults>
</compile_context>

<pallas_src>
import jax
import jax.numpy as jnp
from jax import lax
from jax.experimental import pallas as pl
from jax.experimental.pallas import tpu as pltpu
from jax.experimental.pallas import tpu_sc as plsc

VOCAB = 100000
HIDDEN = 128
BATCH = 16384
HIST = 50

_INFO = plsc.get_sparse_core_info()
_NC = _INFO.num_cores
_NS = _INFO.num_subcores
_NW = _NC * _NS

_B = BATCH * HIST
_PER_W = _B // _NW
_NBUF = 8
_CHUNK = 80
_NCHUNKS = _PER_W // _CHUNK
_NGROUPS = _NCHUNKS // _NBUF


def _gather_body(idx_hbm, table_hbm, out_hbm, idx_v, *bufs_and_sems):
    bufs = bufs_and_sems[:_NBUF]
    gsems = bufs_and_sems[_NBUF:2 * _NBUF]
    ssems = bufs_and_sems[2 * _NBUF:3 * _NBUF]

    wid = lax.axis_index("s") * _NC + lax.axis_index("c")
    base = wid * _PER_W

    pltpu.sync_copy(idx_hbm.at[pl.ds(base, _PER_W)], idx_v)

    def start_gather(i, b):
        pltpu.async_copy(table_hbm.at[idx_v.at[pl.ds(i * _CHUNK, _CHUNK)]],
                         bufs[b], gsems[b])

    def wait_gather(b):
        pltpu.make_async_copy(table_hbm.at[idx_v.at[pl.ds(0, _CHUNK)]],
                              bufs[b], gsems[b]).wait()

    def start_store(i, b):
        pltpu.async_copy(bufs[b], out_hbm.at[pl.ds(base + i * _CHUNK, _CHUNK)],
                         ssems[b])

    def wait_store(b):
        pltpu.make_async_copy(bufs[b], out_hbm.at[pl.ds(base, _CHUNK)],
                              ssems[b]).wait()

    for b in range(_NBUF - 1):
        start_gather(b, b)

    def group(g, carry):
        for b in range(_NBUF):
            i = g * _NBUF + b
            wait_gather(b)
            start_store(i, b)
            j = i + _NBUF - 1
            jb = (b + _NBUF - 1) % _NBUF

            def issue_next(j=j, jb=jb, b=b):
                if b == 0:
                    @pl.when(g > 0)
                    def _():
                        wait_store(jb)
                else:
                    wait_store(jb)
                start_gather(j, jb)

            @pl.when(j < _NCHUNKS)
            def _():
                issue_next()
        return carry

    lax.fori_loop(0, _NGROUPS, group, 0)
    for b in range(_NBUF):
        wait_store(b)


@jax.jit
def kernel(inputs, weight):
    flat_idx = inputs.astype(jnp.int32).T.reshape(_B)
    mesh = plsc.VectorSubcoreMesh(core_axis_name="c", subcore_axis_name="s")
    run = pl.kernel(
        _gather_body,
        out_type=jax.ShapeDtypeStruct((_B, HIDDEN), jnp.float32),
        mesh=mesh,
        scratch_types=(
            [pltpu.VMEM((_PER_W,), jnp.int32)]
            + [pltpu.VMEM((_CHUNK, HIDDEN), jnp.float32) for _ in range(_NBUF)]
            + [pltpu.SemaphoreType.DMA for _ in range(2 * _NBUF)]
        ),
    )
    out = run(flat_idx, weight)
    return out.reshape(HIST, BATCH, HIDDEN).transpose(1, 0, 2)

# --- scband reference (transcript-rebuilt; emitter-appended) ---
"""Pipeline reference for scband-init-embedding-14559939133937 (READ-ONLY COPY).

The authoritative reference and input builder live on the scoring server;
editing this copy changes nothing except your own understanding.
"""

import jax, jax.numpy as jnp
import numpy as np

VOCAB = 100000
HIDDEN = 128
BATCH = 16384
HIST = 50

def setup_inputs(seed: int = 0) -> dict:
    key = jax.random.key(seed)
    k_idx, k_w = jax.random.split(key)
    inputs = jax.random.randint(k_idx, (BATCH, HIST), 0, VOCAB, dtype=jnp.int64 if jax.config.jax_enable_x64 else jnp.int32)
    weight = jax.random.normal(k_w, (VOCAB, HIDDEN), dtype=jnp.float32) * 0.01
    return {"inputs": inputs, "weight": weight}

def reference(inputs, weight):
    # Faithful translation of InitEmbedding.__call__: embedding gather along axis 0
    return jnp.take(weight, inputs, 0)

if __name__ == "__main__":
    import jax
    _d = setup_inputs()
    print(jax.jit(kernel)(*tuple(_d.values())))

</pallas_src>

<mosaic_0001>
#map = affine_map<(d0, d1) -> (0)>
#map1 = affine_map<(d0, d1) -> (0, 0)>
module attributes {stable_mosaic.version = 14 : i64} {
  func.func @_gather_body(%arg0: i32, %arg1: i32, %arg2: memref<819200xi32, #tpu.memory_space<hbm>>, %arg3: memref<100000x128xf32, #tpu.memory_space<hbm>>, %arg4: memref<819200x128xf32, #tpu.memory_space<hbm>>, %arg5: memref<25600xi32, #tpu.memory_space<vmem>>, %arg6: memref<80x128xf32, #tpu.memory_space<vmem>>, %arg7: memref<80x128xf32, #tpu.memory_space<vmem>>, %arg8: memref<80x128xf32, #tpu.memory_space<vmem>>, %arg9: memref<80x128xf32, #tpu.memory_space<vmem>>, %arg10: memref<80x128xf32, #tpu.memory_space<vmem>>, %arg11: memref<80x128xf32, #tpu.memory_space<vmem>>, %arg12: memref<80x128xf32, #tpu.memory_space<vmem>>, %arg13: memref<80x128xf32, #tpu.memory_space<vmem>>, %arg14: memref<!tpu.dma_semaphore, #tpu.memory_space<semaphore_mem>>, %arg15: memref<!tpu.dma_semaphore, #tpu.memory_space<semaphore_mem>>, %arg16: memref<!tpu.dma_semaphore, #tpu.memory_space<semaphore_mem>>, %arg17: memref<!tpu.dma_semaphore, #tpu.memory_space<semaphore_mem>>, %arg18: memref<!tpu.dma_semaphore, #tpu.memory_space<semaphore_mem>>, %arg19: memref<!tpu.dma_semaphore, #tpu.memory_space<semaphore_mem>>, %arg20: memref<!tpu.dma_semaphore, #tpu.memory_space<semaphore_mem>>, %arg21: memref<!tpu.dma_semaphore, #tpu.memory_space<semaphore_mem>>, %arg22: memref<!tpu.dma_semaphore, #tpu.memory_space<semaphore_mem>>, %arg23: memref<!tpu.dma_semaphore, #tpu.memory_space<semaphore_mem>>, %arg24: memref<!tpu.dma_semaphore, #tpu.memory_space<semaphore_mem>>, %arg25: memref<!tpu.dma_semaphore, #tpu.memory_space<semaphore_mem>>, %arg26: memref<!tpu.dma_semaphore, #tpu.memory_space<semaphore_mem>>, %arg27: memref<!tpu.dma_semaphore, #tpu.memory_space<semaphore_mem>>, %arg28: memref<!tpu.dma_semaphore, #tpu.memory_space<semaphore_mem>>, %arg29: memref<!tpu.dma_semaphore, #tpu.memory_space<semaphore_mem>>) attributes {dimension_semantics = [#tpu.dimension_semantics<core_parallel>, #tpu.dimension_semantics<subcore_parallel>], iteration_bounds = array<i64: 2, 16>, scalar_prefetch = 0 : i64, scratch_operands = 25 : i64, tpu.core_type = #tpu.core_type<sc_vector_subcore>, window_params = [{transform_indices = #map}, {transform_indices = #map1}, {transform_indices = #map1}]} {
    %mul3A = arith.constant 2 : i32
    %mul3A_0 = arith.muli %arg1, %mul3A : i32
    %add3A = arith.addi %mul3A_0, %arg0 : i32
    %mul3A_1 = arith.constant 25600 : i32
    %mul3A_2 = arith.muli %add3A, %mul3A_1 : i32
    "tpu.region"() ({
      %run_scoped3A = tpu.sem_alloc : memref<!tpu.dma_semaphore, #tpu.memory_space<semaphore_mem>>
      %dma_start3A_73 = tpu.memref_slice %arg2[%mul3A_2] : memref<819200xi32, #tpu.memory_space<hbm>> -> memref<25600xi32, #tpu.memory_space<hbm>>
      %dma_start3A_74 = tpu.memref_slice %arg2[%mul3A_2] : memref<819200xi32, #tpu.memory_space<hbm>> -> memref<25600xi32, #tpu.memory_space<hbm>>
      tpu.enqueue_dma source(%dma_start3A_74 : memref<25600xi32, #tpu.memory_space<hbm>>) target(%arg5 : memref<25600xi32, #tpu.memory_space<vmem>>) target_semaphore(%run_scoped3A : memref<!tpu.dma_semaphore, #tpu.memory_space<semaphore_mem>>)
      %dma_wait3A_75 = tpu.memref_slice %arg2[%mul3A_2] : memref<819200xi32, #tpu.memory_space<hbm>> -> memref<25600xi32, #tpu.memory_space<hbm>>
      %dma_wait3A_76 = tpu.memref_slice %arg2[%mul3A_2] : memref<819200xi32, #tpu.memory_space<hbm>> -> memref<25600xi32, #tpu.memory_space<hbm>>
      tpu.wait_dma2 semaphore(%run_scoped3A : memref<!tpu.dma_semaphore, #tpu.memory_space<semaphore_mem>>) src(%dma_wait3A_76 : memref<25600xi32, #tpu.memory_space<hbm>>) dst(%arg5 : memref<25600xi32, #tpu.memory_space<vmem>>)
      tpu.yield
    }) : () -> ()
    %dma_start3A = arith.constant 0 : i32
    %dma_start3A_3 = tpu.memref_slice %arg5[%dma_start3A] : memref<25600xi32, #tpu.memory_space<vmem>> -> memref<80xi32, #tpu.memory_space<vmem>>
    %dma_start3A_4 = arith.constant 0 : i32
    %dma_start3A_5 = arith.constant 0 : i32
    %dma_start3A_6 = tpu.memref_slice %arg3[%dma_start3A_4, %dma_start3A_5] : memref<100000x128xf32, #tpu.memory_space<hbm>> -> memref<100000x128xf32, #tpu.memory_space<hbm>>
    tpu.enqueue_indirect_dma source(%dma_start3A_6 : memref<100000x128xf32, #tpu.memory_space<hbm>>) target(%arg6 : memref<80x128xf32, #tpu.memory_space<vmem>>) offsets(%dma_start3A_3 : memref<80xi32, #tpu.memory_space<vmem>>) semaphore(%arg14 : memref<!tpu.dma_semaphore, #tpu.memory_space<semaphore_mem>>)
    %dma_start3A_7 = arith.constant 80 : i32
    %dma_start3A_8 = tpu.memref_slice %arg5[%dma_start3A_7] : memref<25600xi32, #tpu.memory_space<vmem>> -> memref<80xi32, #tpu.memory_space<vmem>>
    %dma_start3A_9 = arith.constant 0 : i32
    %dma_start3A_10 = arith.constant 0 : i32
    %dma_start3A_11 = tpu.memref_slice %arg3[%dma_start3A_9, %dma_start3A_10] : memref<100000x128xf32, #tpu.memory_space<hbm>> -> memref<100000x128xf32, #tpu.memory_space<hbm>>
    tpu.enqueue_indirect_dma source(%dma_start3A_11 : memref<100000x128xf32, #tpu.memory_space<hbm>>) target(%arg7 : memref<80x128xf32, #tpu.memory_space<vmem>>) offsets(%dma_start3A_8 : memref<80xi32, #tpu.memory_space<vmem>>) semaphore(%arg15 : memref<!tpu.dma_semaphore, #tpu.memory_space<semaphore_mem>>)
    %dma_start3A_12 = arith.constant 160 : i32
    %dma_start3A_13 = tpu.memref_slice %arg5[%dma_start3A_12] : memref<25600xi32, #tpu.memory_space<vmem>> -> memref<80xi32, #tpu.memory_space<vmem>>
    %dma_start3A_14 = arith.constant 0 : i32
    %dma_start3A_15 = arith.constant 0 : i32
    %dma_start3A_16 = tpu.memref_slice %arg3[%dma_start3A_14, %dma_start3A_15] : memref<100000x128xf32, #tpu.memory_space<hbm>> -> memref<100000x128xf32, #tpu.memory_space<hbm>>
    tpu.enqueue_indirect_dma source(%dma_start3A_16 : memref<100000x128xf32, #tpu.memory_space<hbm>>) target(%arg8 : memref<80x128xf32, #tpu.memory_space<vmem>>) offsets(%dma_start3A_13 : memref<80xi32, #tpu.memory_space<vmem>>) semaphore(%arg16 : memref<!tpu.dma_semaphore, #tpu.memory_space<semaphore_mem>>)
    %dma_start3A_17 = arith.constant 240 : i32
    %dma_start3A_18 = tpu.memref_slice %arg5[%dma_start3A_17] : memref<25600xi32, #tpu.memory_space<vmem>> -> memref<80xi32, #tpu.memory_space<vmem>>
    %dma_start3A_19 = arith.constant 0 : i32
    %dma_start3A_20 = arith.constant 0 : i32
    %dma_start3A_21 = tpu.memref_slice %arg3[%dma_start3A_19, %dma_start3A_20] : memref<100000x128xf32, #tpu.memory_space<hbm>> -> memref<100000x128xf32, #tpu.memory_space<hbm>>
    tpu.enqueue_indirect_dma source(%dma_start3A_21 : memref<100000x128xf32, #tpu.memory_space<hbm>>) target(%arg9 : memref<80x128xf32, #tpu.memory_space<vmem>>) offsets(%dma_start3A_18 : memref<80xi32, #tpu.memory_space<vmem>>) semaphore(%arg17 : memref<!tpu.dma_semaphore, #tpu.memory_space<semaphore_mem>>)
    %dma_start3A_22 = arith.constant 320 : i32
    %dma_start3A_23 = tpu.memref_slice %arg5[%dma_start3A_22] : memref<25600xi32, #tpu.memory_space<vmem>> -> memref<80xi32, #tpu.memory_space<vmem>>
    %dma_start3A_24 = arith.constant 0 : i32
    %dma_start3A_25 = arith.constant 0 : i32
    %dma_start3A_26 = tpu.memref_slice %arg3[%dma_start3A_24, %dma_start3A_25] : memref<100000x128xf32, #tpu.memory_space<hbm>> -> memref<100000x128xf32, #tpu.memory_space<hbm>>
    tpu.enqueue_indirect_dma source(%dma_start3A_26 : memref<100000x128xf32, #tpu.memory_space<hbm>>) target(%arg10 : memref<80x128xf32, #tpu.memory_space<vmem>>) offsets(%dma_start3A_23 : memref<80xi32, #tpu.memory_space<vmem>>) semaphore(%arg18 : memref<!tpu.dma_semaphore, #tpu.memory_space<semaphore_mem>>)
    %dma_start3A_27 = arith.constant 400 : i32
    %dma_start3A_28 = tpu.memref_slice %arg5[%dma_start3A_27] : memref<25600xi32, #tpu.memory_space<vmem>> -> memref<80xi32, #tpu.memory_space<vmem>>
    %dma_start3A_29 = arith.constant 0 : i32
    %dma_start3A_30 = arith.constant 0 : i32
    %dma_start3A_31 = tpu.memref_slice %arg3[%dma_start3A_29, %dma_start3A_30] : memref<100000x128xf32, #tpu.memory_space<hbm>> -> memref<100000x128xf32, #tpu.memory_space<hbm>>
    tpu.enqueue_indirect_dma source(%dma_start3A_31 : memref<100000x128xf32, #tpu.memory_space<hbm>>) target(%arg11 : memref<80x128xf32, #tpu.memory_space<vmem>>) offsets(%dma_start3A_28 : memref<80xi32, #tpu.memory_space<vmem>>) semaphore(%arg19 : memref<!tpu.dma_semaphore, #tpu.memory_space<semaphore_mem>>)
    %dma_start3A_32 = arith.constant 480 : i32
    %dma_start3A_33 = tpu.memref_slice %arg5[%dma_start3A_32] : memref<25600xi32, #tpu.memory_space<vmem>> -> memref<80xi32, #tpu.memory_space<vmem>>
    %dma_start3A_34 = arith.constant 0 : i32
    %dma_start3A_35 = arith.constant 0 : i32
    %dma_start3A_36 = tpu.memref_slice %arg3[%dma_start3A_34, %dma_start3A_35] : memref<100000x128xf32, #tpu.memory_space<hbm>> -> memref<100000x128xf32, #tpu.memory_space<hbm>>
    tpu.enqueue_indirect_dma source(%dma_start3A_36 : memref<100000x128xf32, #tpu.memory_space<hbm>>) target(%arg12 : memref<80x128xf32, #tpu.memory_space<vmem>>) offsets(%dma_start3A_33 : memref<80xi32, #tpu.memory_space<vmem>>) semaphore(%arg20 : memref<!tpu.dma_semaphore, #tpu.memory_space<semaphore_mem>>)
    %scan3A = arith.constant 0 : i32
    %scan3A_37 = arith.constant 0 : i32
    %scan3A_38 = arith.constant 40 : i32
    %scan3A_39 = arith.addi %scan3A_37, %scan3A_38 : i32
    %scan3A_40 = arith.constant 1 : i32
    scf.for %scan3A_73 = %scan3A_37 to %scan3A_39 step %scan3A_40  : i32 {
      %mul3A_74 = arith.constant 8 : i32
      %mul3A_75 = arith.muli %scan3A_73, %mul3A_74 : i32
      %add3A_76 = arith.constant 0 : i32
      %add3A_77 = arith.addi %mul3A_75, %add3A_76 : i32
      %dma_wait3A_78 = arith.constant 0 : i32
      %dma_wait3A_79 = tpu.memref_slice %arg5[%dma_wait3A_78] : memref<25600xi32, #tpu.memory_space<vmem>> -> memref<80xi32, #tpu.memory_space<vmem>>
      %dma_wait3A_80 = arith.constant 0 : i32
      %dma_wait3A_81 = arith.constant 0 : i32
      %dma_wait3A_82 = tpu.memref_slice %arg3[%dma_wait3A_80, %dma_wait3A_81] : memref<100000x128xf32, #tpu.memory_space<hbm>> -> memref<100000x128xf32, #tpu.memory_space<hbm>>
      tpu.wait_indirect_dma semaphore(%arg14 : memref<!tpu.dma_semaphore, #tpu.memory_space<semaphore_mem>>) src(%dma_wait3A_82 : memref<100000x128xf32, #tpu.memory_space<hbm>>) dst(%arg6 : memref<80x128xf32, #tpu.memory_space<vmem>>)
      %mul3A_83 = arith.constant 80 : i32
      %mul3A_84 = arith.muli %add3A_77, %mul3A_83 : i32
      %add3A_85 = arith.addi %mul3A_2, %mul3A_84 : i32
      %dma_start3A_86 = arith.constant 0 : i32
      %dma_start3A_87 = tpu.memref_slice %arg4[%add3A_85, %dma_start3A_86] : memref<819200x128xf32, #tpu.memory_space<hbm>> -> memref<80x128xf32, #tpu.memory_space<hbm>>
      %dma_start3A_88 = arith.constant 0 : i32
      %dma_start3A_89 = tpu.memref_slice %arg4[%add3A_85, %dma_start3A_88] : memref<819200x128xf32, #tpu.memory_space<hbm>> -> memref<80x128xf32, #tpu.memory_space<hbm>>
      tpu.enqueue_dma source(%arg6 : memref<80x128xf32, #tpu.memory_space<vmem>>) target(%dma_start3A_89 : memref<80x128xf32, #tpu.memory_space<hbm>>) target_semaphore(%arg22 : memref<!tpu.dma_semaphore, #tpu.memory_space<semaphore_mem>>)
      %add3A_90 = arith.constant 8 : i32
      %add3A_91 = arith.addi %add3A_77, %add3A_90 : i32
      %sub3A = arith.constant 1 : i32
      %sub3A_92 = arith.subi %add3A_91, %sub3A : i32
      %lt3A = arith.constant 320 : i32
      %lt3A_93 = arith.cmpi slt, %sub3A_92, %lt3A : i32
      %convert_element_type3A = arith.extui %lt3A_93 : i1 to i32
      %cond3A = arith.constant 0 : i32
      %cond3A_94 = arith.cmpi ne, %convert_element_type3A, %cond3A : i32
      scf.if %cond3A_94 {
        %gt3A = arith.constant 0 : i32
        %gt3A_270 = arith.cmpi sgt, %scan3A_73, %gt3A : i32
        %convert_element_type3A_271 = arith.extui %gt3A_270 : i1 to i32
        %cond3A_272 = arith.constant 0 : i32
        %cond3A_273 = arith.cmpi ne, %convert_element_type3A_271, %cond3A_272 : i32
        scf.if %cond3A_273 {
          %dma_wait3A_280 = arith.constant 0 : i32
          %dma_wait3A_281 = tpu.memref_slice %arg4[%mul3A_2, %dma_wait3A_280] : memref<819200x128xf32, #tpu.memory_space<hbm>> -> memref<80x128xf32, #tpu.memory_space<hbm>>
          %dma_wait3A_282 = arith.constant 0 : i32
          %dma_wait3A_283 = tpu.memref_slice %arg4[%mul3A_2, %dma_wait3A_282] : memref<819200x128xf32, #tpu.memory_space<hbm>> -> memref<80x128xf32, #tpu.memory_space<hbm>>
          tpu.wait_dma2 semaphore(%arg29 : memref<!tpu.dma_semaphore, #tpu.memory_space<semaphore_mem>>) src(%arg13 : memref<80x128xf32, #tpu.memory_space<vmem>>) dst(%dma_wait3A_283 : memref<80x128xf32, #tpu.memory_space<hbm>>)
        } else {
        }
        %mul3A_274 = arith.constant 80 : i32
        %mul3A_275 = arith.muli %sub3A_92, %mul3A_274 : i32
        %dma_start3A_276 = tpu.memref_slice %arg5[%mul3A_275] : memref<25600xi32, #tpu.memory_space<vmem>> -> memref<80xi32, #tpu.memory_space<vmem>>
        %dma_start3A_277 = arith.constant 0 : i32
        %dma_start3A_278 = arith.constant 0 : i32
        %dma_start3A_279 = tpu.memref_slice %arg3[%dma_start3A_277, %dma_start3A_278] : memref<100000x128xf32, #tpu.memory_space<hbm>> -> memref<100000x128xf32, #tpu.memory_space<hbm>>
        tpu.enqueue_indirect_dma source(%dma_start3A_279 : memref<100000x128xf32, #tpu.memory_space<hbm>>) target(%arg13 : memref<80x128xf32, #tpu.memory_space<vmem>>) offsets(%dma_start3A_276 : memref<80xi32, #tpu.memory_space<vmem>>) semaphore(%arg21 : memref<!tpu.dma_semaphore, #tpu.memory_space<semaphore_mem>>)
      } else {
      }
      %mul3A_95 = arith.constant 8 : i32
      %mul3A_96 = arith.muli %scan3A_73, %mul3A_95 : i32
      %add3A_97 = arith.constant 1 : i32
      %add3A_98 = arith.addi %mul3A_96, %add3A_97 : i32
      %dma_wait3A_99 = arith.constant 0 : i32
      %dma_wait3A_100 = tpu.memref_slice %arg5[%dma_wait3A_99] : memref<25600xi32, #tpu.memory_space<vmem>> -> memref<80xi32, #tpu.memory_space<vmem>>
      %dma_wait3A_101 = arith.constant 0 : i32
      %dma_wait3A_102 = arith.constant 0 : i32
      %dma_wait3A_103 = tpu.memref_slice %arg3[%dma_wait3A_101, %dma_wait3A_102] : memref<100000x128xf32, #tpu.memory_space<hbm>> -> memref<100000x128xf32, #tpu.memory_space<hbm>>
      tpu.wait_indirect_dma semaphore(%arg15 : memref<!tpu.dma_semaphore, #tpu.memory_space<semaphore_mem>>) src(%dma_wait3A_103 : memref<100000x128xf32, #tpu.memory_space<hbm>>) dst(%arg7 : memref<80x128xf32, #tpu.memory_space<vmem>>)
      %mul3A_104 = arith.constant 80 : i32
      %mul3A_105 = arith.muli %add3A_98, %mul3A_104 : i32
      %add3A_106 = arith.addi %mul3A_2, %mul3A_105 : i32
      %dma_start3A_107 = arith.constant 0 : i32
      %dma_start3A_108 = tpu.memref_slice %arg4[%add3A_106, %dma_start3A_107] : memref<819200x128xf32, #tpu.memory_space<hbm>> -> memref<80x128xf32, #tpu.memory_space<hbm>>
      %dma_start3A_109 = arith.constant 0 : i32
      %dma_start3A_110 = tpu.memref_slice %arg4[%add3A_106, %dma_start3A_109] : memref<819200x128xf32, #tpu.memory_space<hbm>> -> memref<80x128xf32, #tpu.memory_space<hbm>>
      tpu.enqueue_dma source(%arg7 : memref<80x128xf32, #tpu.memory_space<vmem>>) target(%dma_start3A_110 : memref<80x128xf32, #tpu.memory_space<hbm>>) target_semaphore(%arg23 : memref<!tpu.dma_semaphore, #tpu.memory_space<semaphore_mem>>)
      %add3A_111 = arith.constant 8 : i32
      %add3A_112 = arith.addi %add3A_98, %add3A_111 : i32
      %sub3A_113 = arith.constant 1 : i32
      %sub3A_114 = arith.subi %add3A_112, %sub3A_113 : i32
      %lt3A_115 = arith.constant 320 : i32
      %lt3A_116 = arith.cmpi slt, %sub3A_114, %lt3A_115 : i32
      %convert_element_type3A_117 = arith.extui %lt3A_116 : i1 to i32
      %cond3A_118 = arith.constant 0 : i32
      %cond3A_119 = arith.cmpi ne, %convert_element_type3A_117, %cond3A_118 : i32
      scf.if %cond3A_119 {
        %dma_wait3A_270 = arith.constant 0 : i32
        %dma_wait3A_271 = tpu.memref_slice %arg4[%mul3A_2, %dma_wait3A_270] : memref<819200x128xf32, #tpu.memory_space<hbm>> -> memref<80x128xf32, #tpu.memory_space<hbm>>
        %dma_wait3A_272 = arith.constant 0 : i32
        %dma_wait3A_273 = tpu.memref_slice %arg4[%mul3A_2, %dma_wait3A_272] : memref<819200x128xf32, #tpu.memory_space<hbm>> -> memref<80x128xf32, #tpu.memory_space<hbm>>
        tpu.wait_dma2 semaphore(%arg22 : memref<!tpu.dma_semaphore, #tpu.memory_space<semaphore_mem>>) src(%arg6 : memref<80x128xf32, #tpu.memory_space<vmem>>) dst(%dma_wait3A_273 : memref<80x128xf32, #tpu.memory_space<hbm>>)
        %mul3A_274 = arith.constant 80 : i32
        %mul3A_275 = arith.muli %sub3A_114, %mul3A_274 : i32
        %dma_start3A_276 = tpu.memref_slice %arg5[%mul3A_275] : memref<25600xi32, #tpu.memory_space<vmem>> -> memref<80xi32, #tpu.memory_space<vmem>>
        %dma_start3A_277 = arith.constant 0 : i32
        %dma_start3A_278 = arith.constant 0 : i32
        %dma_start3A_279 = tpu.memref_slice %arg3[%dma_start3A_277, %dma_start3A_278] : memref<100000x128xf32, #tpu.memory_space<hbm>> -> memref<100000x128xf32, #tpu.memory_space<hbm>>
        tpu.enqueue_indirect_dma source(%dma_start3A_279 : memref<100000x128xf32, #tpu.memory_space<hbm>>) target(%arg6 : memref<80x128xf32, #tpu.memory_space<vmem>>) offsets(%dma_start3A_276 : memref<80xi32, #tpu.memory_space<vmem>>) semaphore(%arg14 : memref<!tpu.dma_semaphore, #tpu.memory_space<semaphore_mem>>)
      } else {
      }
      %mul3A_120 = arith.constant 8 : i32
      %mul3A_121 = arith.muli %scan3A_73, %mul3A_120 : i32
      %add3A_122 = arith.constant 2 : i32
      %add3A_123 = arith.addi %mul3A_121, %add3A_122 : i32
      %dma_wait3A_124 = arith.constant 0 : i32
      %dma_wait3A_125 = tpu.memref_slice %arg5[%dma_wait3A_124] : memref<25600xi32, #tpu.memory_space<vmem>> -> memref<80xi32, #tpu.memory_space<vmem>>
      %dma_wait3A_126 = arith.constant 0 : i32
      %dma_wait3A_127 = arith.constant 0 : i32
      %dma_wait3A_128 = tpu.memref_slice %arg3[%dma_wait3A_126, %dma_wait3A_127] : memref<100000x128xf32, #tpu.memory_space<hbm>> -> memref<100000x128xf32, #tpu.memory_space<hbm>>
      tpu.wait_indirect_dma semaphore(%arg16 : memref<!tpu.dma_semaphore, #tpu.memory_space<semaphore_mem>>) src(%dma_wait3A_128 : memref<100000x128xf32, #tpu.memory_space<hbm>>) dst(%arg8 : memref<80x128xf32, #tpu.memory_space<vmem>>)
      %mul3A_129 = arith.constant 80 : i32
      %mul3A_130 = arith.muli %add3A_123, %mul3A_129 : i32
      %add3A_131 = arith.addi %mul3A_2, %mul3A_130 : i32
      %dma_start3A_132 = arith.constant 0 : i32
      %dma_start3A_133 = tpu.memref_slice %arg4[%add3A_131, %dma_start3A_132] : memref<819200x128xf32, #tpu.memory_space<hbm>> -> memref<80x128xf32, #tpu.memory_space<hbm>>
      %dma_start3A_134 = arith.constant 0 : i32
      %dma_start3A_135 = tpu.memref_slice %arg4[%add3A_131, %dma_start3A_134] : memref<819200x128xf32, #tpu.memory_space<hbm>> -> memref<80x128xf32, #tpu.memory_space<hbm>>
      tpu.enqueue_dma source(%arg8 : memref<80x128xf32, #tpu.memory_space<vmem>>) target(%dma_start3A_135 : memref<80x128xf32, #tpu.memory_space<hbm>>) target_semaphore(%arg24 : memref<!tpu.dma_semaphore, #tpu.memory_space<semaphore_mem>>)
      %add3A_136 = arith.constant 8 : i32
      %add3A_137 = arith.addi %add3A_123, %add3A_136 : i32
      %sub3A_138 = arith.constant 1 : i32
      %sub3A_139 = arith.subi %add3A_137, %sub3A_138 : i32
      %lt3A_140 = arith.constant 320 : i32
      %lt3A_141 = arith.cmpi slt, %sub3A_139, %lt3A_140 : i32
      %convert_element_type3A_142 = arith.extui %lt3A_141 : i1 to i32
      %cond3A_143 = arith.constant 0 : i32
      %cond3A_144 = arith.cmpi ne, %convert_element_type3A_142, %cond3A_143 : i32
      scf.if %cond3A_144 {
        %dma_wait3A_270 = arith.constant 0 : i32
        %dma_wait3A_271 = tpu.memref_slice %arg4[%mul3A_2, %dma_wait3A_270] : memref<819200x128xf32, #tpu.memory_space<hbm>> -> memref<80x128xf32, #tpu.memory_space<hbm>>
        %dma_wait3A_272 = arith.constant 0 : i32
        %dma_wait3A_273 = tpu.memref_slice %arg4[%mul3A_2, %dma_wait3A_272] : memref<819200x128xf32, #tpu.memory_space<hbm>> -> memref<80x128xf32, #tpu.memory_space<hbm>>
        tpu.wait_dma2 semaphore(%arg23 : memref<!tpu.dma_semaphore, #tpu.memory_space<semaphore_mem>>) src(%arg7 : memref<80x128xf32, #tpu.memory_space<vmem>>) dst(%dma_wait3A_273 : memref<80x128xf32, #tpu.memory_space<hbm>>)
        %mul3A_274 = arith.constant 80 : i32
        %mul3A_275 = arith.muli %sub3A_139, %mul3A_274 : i32
        %dma_start3A_276 = tpu.memref_slice %arg5[%mul3A_275] : memref<25600xi32, #tpu.memory_space<vmem>> -> memref<80xi32, #tpu.memory_space<vmem>>
        %dma_start3A_277 = arith.constant 0 : i32
        %dma_start3A_278 = arith.constant 0 : i32
        %dma_start3A_279 = tpu.memref_slice %arg3[%dma_start3A_277, %dma_start3A_278] : memref<100000x128xf32, #tpu.memory_space<hbm>> -> memref<100000x128xf32, #tpu.memory_space<hbm>>
        tpu.enqueue_indirect_dma source(%dma_start3A_279 : memref<100000x128xf32, #tpu.memory_space<hbm>>) target(%arg7 : memref<80x128xf32, #tpu.memory_space<vmem>>) offsets(%dma_start3A_276 : memref<80xi32, #tpu.memory_space<vmem>>) semaphore(%arg15 : memref<!tpu.dma_semaphore, #tpu.memory_space<semaphore_mem>>)
      } else {
      }
      %mul3A_145 = arith.constant 8 : i32
      %mul3A_146 = arith.muli %scan3A_73, %mul3A_145 : i32
      %add3A_147 = arith.constant 3 : i32
      %add3A_148 = arith.addi %mul3A_146, %add3A_147 : i32
      %dma_wait3A_149 = arith.constant 0 : i32
      %dma_wait3A_150 = tpu.memref_slice %arg5[%dma_wait3A_149] : memref<25600xi32, #tpu.memory_space<vmem>> -> memref<80xi32, #tpu.memory_space<vmem>>
      %dma_wait3A_151 = arith.constant 0 : i32
      %dma_wait3A_152 = arith.constant 0 : i32
      %dma_wait3A_153 = tpu.memref_slice %arg3[%dma_wait3A_151, %dma_wait3A_152] : memref<100000x128xf32, #tpu.memory_space<hbm>> -> memref<100000x128xf32, #tpu.memory_space<hbm>>
      tpu.wait_indirect_dma semaphore(%arg17 : memref<!tpu.dma_semaphore, #tpu.memory_space<semaphore_mem>>) src(%dma_wait3A_153 : memref<100000x128xf32, #tpu.memory_space<hbm>>) dst(%arg9 : memref<80x128xf32, #tpu.memory_space<vmem>>)
      %mul3A_154 = arith.constant 80 : i32
      %mul3A_155 = arith.muli %add3A_148, %mul3A_154 : i32
      %add3A_156 = arith.addi %mul3A_2, %mul3A_155 : i32
      %dma_start3A_157 = arith.constant 0 : i32
      %dma_start3A_158 = tpu.memref_slice %arg4[%add3A_156, %dma_start3A_157] : memref<819200x128xf32, #tpu.memory_space<hbm>> -> memref<80x128xf32, #tpu.memory_space<hbm>>
      %dma_start3A_159 = arith.constant 0 : i32
      %dma_start3A_160 = tpu.memref_slice %arg4[%add3A_156, %dma_start3A_159] : memref<819200x128xf32, #tpu.memory_space<hbm>> -> memref<80x128xf32, #tpu.memory_space<hbm>>
      tpu.enqueue_dma source(%arg9 : memref<80x128xf32, #tpu.memory_space<vmem>>) target(%dma_start3A_160 : memref<80x128xf32, #tpu.memory_space<hbm>>) target_semaphore(%arg25 : memref<!tpu.dma_semaphore, #tpu.memory_space<semaphore_mem>>)
      %add3A_161 = arith.constant 8 : i32
      %add3A_162 = arith.addi %add3A_148, %add3A_161 : i32
      %sub3A_163 = arith.constant 1 : i32
      %sub3A_164 = arith.subi %add3A_162, %sub3A_163 : i32
      %lt3A_165 = arith.constant 320 : i32
      %lt3A_166 = arith.cmpi slt, %sub3A_164, %lt3A_165 : i32
      %convert_element_type3A_167 = arith.extui %lt3A_166 : i1 to i32
      %cond3A_168 = arith.constant 0 : i32
      %cond3A_169 = arith.cmpi ne, %convert_element_type3A_167, %cond3A_168 : i32
      scf.if %cond3A_169 {
        %dma_wait3A_270 = arith.constant 0 : i32
        %dma_wait3A_271 = tpu.memref_slice %arg4[%mul3A_2, %dma_wait3A_270] : memref<819200x128xf32, #tpu.memory_space<hbm>> -> memref<80x128xf32, #tpu.memory_space<hbm>>
        %dma_wait3A_272 = arith.constant 0 : i32
        %dma_wait3A_273 = tpu.memref_slice %arg4[%mul3A_2, %dma_wait3A_272] : memref<819200x128xf32, #tpu.memory_space<hbm>> -> memref<80x128xf32, #tpu.memory_space<hbm>>
        tpu.wait_dma2 semaphore(%arg24 : memref<!tpu.dma_semaphore, #tpu.memory_space<semaphore_mem>>) src(%arg8 : memref<80x128xf32, #tpu.memory_space<vmem>>) dst(%dma_wait3A_273 : memref<80x128xf32, #tpu.memory_space<hbm>>)
        %mul3A_274 = arith.constant 80 : i32
        %mul3A_275 = arith.muli %sub3A_164, %mul3A_274 : i32
        %dma_start3A_276 = tpu.memref_slice %arg5[%mul3A_275] : memref<25600xi32, #tpu.memory_space<vmem>> -> memref<80xi32, #tpu.memory_space<vmem>>
        %dma_start3A_277 = arith.constant 0 : i32
        %dma_start3A_278 = arith.constant 0 : i32
        %dma_start3A_279 = tpu.memref_slice %arg3[%dma_start3A_277, %dma_start3A_278] : memref<100000x128xf32, #tpu.memory_space<hbm>> -> memref<100000x128xf32, #tpu.memory_space<hbm>>
        tpu.enqueue_indirect_dma source(%dma_start3A_279 : memref<100000x128xf32, #tpu.memory_space<hbm>>) target(%arg8 : memref<80x128xf32, #tpu.memory_space<vmem>>) offsets(%dma_start3A_276 : memref<80xi32, #tpu.memory_space<vmem>>) semaphore(%arg16 : memref<!tpu.dma_semaphore, #tpu.memory_space<semaphore_mem>>)
      } else {
      }
      %mul3A_170 = arith.constant 8 : i32
      %mul3A_171 = arith.muli %scan3A_73, %mul3A_170 : i32
      %add3A_172 = arith.constant 4 : i32
      %add3A_173 = arith.addi %mul3A_171, %add3A_172 : i32
      %dma_wait3A_174 = arith.constant 0 : i32
      %dma_wait3A_175 = tpu.memref_slice %arg5[%dma_wait3A_174] : memref<25600xi32, #tpu.memory_space<vmem>> -> memref<80xi32, #tpu.memory_space<vmem>>
      %dma_wait3A_176 = arith.constant 0 : i32
      %dma_wait3A_177 = arith.constant 0 : i32
      %dma_wait3A_178 = tpu.memref_slice %arg3[%dma_wait3A_176, %dma_wait3A_177] : memref<100000x128xf32, #tpu.memory_space<hbm>> -> memref<100000x128xf32, #tpu.memory_space<hbm>>
      tpu.wait_indirect_dma semaphore(%arg18 : memref<!tpu.dma_semaphore, #tpu.memory_space<semaphore_mem>>) src(%dma_wait3A_178 : memref<100000x128xf32, #tpu.memory_space<hbm>>) dst(%arg10 : memref<80x128xf32, #tpu.memory_space<vmem>>)
      %mul3A_179 = arith.constant 80 : i32
      %mul3A_180 = arith.muli %add3A_173, %mul3A_179 : i32
      %add3A_181 = arith.addi %mul3A_2, %mul3A_180 : i32
      %dma_start3A_182 = arith.constant 0 : i32
      %dma_start3A_183 = tpu.memref_slice %arg4[%add3A_181, %dma_start3A_182] : memref<819200x128xf32, #tpu.memory_space<hbm>> -> memref<80x128xf32, #tpu.memory_space<hbm>>
      %dma_start3A_184 = arith.constant 0 : i32
      %dma_start3A_185 = tpu.memref_slice %arg4[%add3A_181, %dma_start3A_184] : memref<819200x128xf32, #tpu.memory_space<hbm>> -> memref<80x128xf32, #tpu.memory_space<hbm>>
      tpu.enqueue_dma source(%arg10 : memref<80x128xf32, #tpu.memory_space<vmem>>) target(%dma_start3A_185 : memref<80x128xf32, #tpu.memory_space<hbm>>) target_semaphore(%arg26 : memref<!tpu.dma_semaphore, #tpu.memory_space<semaphore_mem>>)
      %add3A_186 = arith.constant 8 : i32
      %add3A_187 = arith.addi %add3A_173, %add3A_186 : i32
      %sub3A_188 = arith.constant 1 : i32
      %sub3A_189 = arith.subi %add3A_187, %sub3A_188 : i32
      %lt3A_190 = arith.constant 320 : i32
      %lt3A_191 = arith.cmpi slt, %sub3A_189, %lt3A_190 : i32
      %convert_element_type3A_192 = arith.extui %lt3A_191 : i1 to i32
      %cond3A_193 = arith.constant 0 : i32
      %cond3A_194 = arith.cmpi ne, %convert_element_type3A_192, %cond3A_193 : i32
      scf.if %cond3A_194 {
        %dma_wait3A_270 = arith.constant 0 : i32
        %dma_wait3A_271 = tpu.memref_slice %arg4[%mul3A_2, %dma_wait3A_270] : memref<819200x128xf32, #tpu.memory_space<hbm>> -> memref<80x128xf32, #tpu.memory_space<hbm>>
        %dma_wait3A_272 = arith.constant 0 : i32
        %dma_wait3A_273 = tpu.memref_slice %arg4[%mul3A_2, %dma_wait3A_272] : memref<819200x128xf32, #tpu.memory_space<hbm>> -> memref<80x128xf32, #tpu.memory_space<hbm>>
        tpu.wait_dma2 semaphore(%arg25 : memref<!tpu.dma_semaphore, #tpu.memory_space<semaphore_mem>>) src(%arg9 : memref<80x128xf32, #tpu.memory_space<vmem>>) dst(%dma_wait3A_273 : memref<80x128xf32, #tpu.memory_space<hbm>>)
        %mul3A_274 = arith.constant 80 : i32
        %mul3A_275 = arith.muli %sub3A_189, %mul3A_274 : i32
        %dma_start3A_276 = tpu.memref_slice %arg5[%mul3A_275] : memref<25600xi32, #tpu.memory_space<vmem>> -> memref<80xi32, #tpu.memory_space<vmem>>
        %dma_start3A_277 = arith.constant 0 : i32
        %dma_start3A_278 = arith.constant 0 : i32
        %dma_start3A_279 = tpu.memref_slice %arg3[%dma_start3A_277, %dma_start3A_278] : memref<100000x128xf32, #tpu.memory_space<hbm>> -> memref<100000x128xf32, #tpu.memory_space<hbm>>
        tpu.enqueue_indirect_dma source(%dma_start3A_279 : memref<100000x128xf32, #tpu.memory_space<hbm>>) target(%arg9 : memref<80x128xf32, #tpu.memory_space<vmem>>) offsets(%dma_start3A_276 : memref<80xi32, #tpu.memory_space<vmem>>) semaphore(%arg17 : memref<!tpu.dma_semaphore, #tpu.memory_space<semaphore_mem>>)
      } else {
      }
      %mul3A_195 = arith.constant 8 : i32
      %mul3A_196 = arith.muli %scan3A_73, %mul3A_195 : i32
      %add3A_197 = arith.constant 5 : i32
      %add3A_198 = arith.addi %mul3A_196, %add3A_197 : i32
      %dma_wait3A_199 = arith.constant 0 : i32
      %dma_wait3A_200 = tpu.memref_slice %arg5[%dma_wait3A_199] : memref<25600xi32, #tpu.memory_space<vmem>> -> memref<80xi32, #tpu.memory_space<vmem>>
      %dma_wait3A_201 = arith.constant 0 : i32
      %dma_wait3A_202 = arith.constant 0 : i32
      %dma_wait3A_203 = tpu.memref_slice %arg3[%dma_wait3A_201, %dma_wait3A_202] : memref<100000x128xf32, #tpu.memory_space<hbm>> -> memref<100000x128xf32, #tpu.memory_space<hbm>>
      tpu.wait_indirect_dma semaphore(%arg19 : memref<!tpu.dma_semaphore, #tpu.memory_space<semaphore_mem>>) src(%dma_wait3A_203 : memref<100000x128xf32, #tpu.memory_space<hbm>>) dst(%arg11 : memref<80x128xf32, #tpu.memory_space<vmem>>)
      %mul3A_204 = arith.constant 80 : i32
      %mul3A_205 = arith.muli %add3A_198, %mul3A_204 : i32
      %add3A_206 = arith.addi %mul3A_2, %mul3A_205 : i32
      %dma_start3A_207 = arith.constant 0 : i32
      %dma_start3A_208 = tpu.memref_slice %arg4[%add3A_206, %dma_start3A_207] : memref<819200x128xf32, #tpu.memory_space<hbm>> -> memref<80x128xf32, #tpu.memory_space<hbm>>
      %dma_start3A_209 = arith.constant 0 : i32
      %dma_start3A_210 = tpu.memref_slice %arg4[%add3A_206, %dma_start3A_209] : memref<819200x128xf32, #tpu.memory_space<hbm>> -> memref<80x128xf32, #tpu.memory_space<hbm>>
      tpu.enqueue_dma source(%arg11 : memref<80x128xf32, #tpu.memory_space<vmem>>) target(%dma_start3A_210 : memref<80x128xf32, #tpu.memory_space<hbm>>) target_semaphore(%arg27 : memref<!tpu.dma_semaphore, #tpu.memory_space<semaphore_mem>>)
      %add3A_211 = arith.constant 8 : i32
      %add3A_212 = arith.addi %add3A_198, %add3A_211 : i32
      %sub3A_213 = arith.constant 1 : i32
      %sub3A_214 = arith.subi %add3A_212, %sub3A_213 : i32
      %lt3A_215 = arith.constant 320 : i32
      %lt3A_216 = arith.cmpi slt, %sub3A_214, %lt3A_215 : i32
      %convert_element_type3A_217 = arith.extui %lt3A_216 : i1 to i32
      %cond3A_218 = arith.constant 0 : i32
      %cond3A_219 = arith.cmpi ne, %convert_element_type3A_217, %cond3A_218 : i32
      scf.if %cond3A_219 {
        %dma_wait3A_270 = arith.constant 0 : i32
        %dma_wait3A_271 = tpu.memref_slice %arg4[%mul3A_2, %dma_wait3A_270] : memref<819200x128xf32, #tpu.memory_space<hbm>> -> memref<80x128xf32, #tpu.memory_space<hbm>>
        %dma_wait3A_272 = arith.constant 0 : i32
        %dma_wait3A_273 = tpu.memref_slice %arg4[%mul3A_2, %dma_wait3A_272] : memref<819200x128xf32, #tpu.memory_space<hbm>> -> memref<80x128xf32, #tpu.memory_space<hbm>>
        tpu.wait_dma2 semaphore(%arg26 : memref<!tpu.dma_semaphore, #tpu.memory_space<semaphore_mem>>) src(%arg10 : memref<80x128xf32, #tpu.memory_space<vmem>>) dst(%dma_wait3A_273 : memref<80x128xf32, #tpu.memory_space<hbm>>)
        %mul3A_274 = arith.constant 80 : i32
        %mul3A_275 = arith.muli %sub3A_214, %mul3A_274 : i32
        %dma_start3A_276 = tpu.memref_slice %arg5[%mul3A_275] : memref<25600xi32, #tpu.memory_space<vmem>> -> memref<80xi32, #tpu.memory_space<vmem>>
        %dma_start3A_277 = arith.constant 0 : i32
        %dma_start3A_278 = arith.constant 0 : i32
        %dma_start3A_279 = tpu.memref_slice %arg3[%dma_start3A_277, %dma_start3A_278] : memref<100000x128xf32, #tpu.memory_space<hbm>> -> memref<100000x128xf32, #tpu.memory_space<hbm>>
        tpu.enqueue_indirect_dma source(%dma_start3A_279 : memref<100000x128xf32, #tpu.memory_space<hbm>>) target(%arg10 : memref<80x128xf32, #tpu.memory_space<vmem>>) offsets(%dma_start3A_276 : memref<80xi32, #tpu.memory_space<vmem>>) semaphore(%arg18 : memref<!tpu.dma_semaphore, #tpu.memory_space<semaphore_mem>>)
      } else {
      }
      %mul3A_220 = arith.constant 8 : i32
      %mul3A_221 = arith.muli %scan3A_73, %mul3A_220 : i32
      %add3A_222 = arith.constant 6 : i32
      %add3A_223 = arith.addi %mul3A_221, %add3A_222 : i32
      %dma_wait3A_224 = arith.constant 0 : i32
      %dma_wait3A_225 = tpu.memref_slice %arg5[%dma_wait3A_224] : memref<25600xi32, #tpu.memory_space<vmem>> -> memref<80xi32, #tpu.memory_space<vmem>>
      %dma_wait3A_226 = arith.constant 0 : i32
      %dma_wait3A_227 = arith.constant 0 : i32
      %dma_wait3A_228 = tpu.memref_slice %arg3[%dma_wait3A_226, %dma_wait3A_227] : memref<100000x128xf32, #tpu.memory_space<hbm>> -> memref<100000x128xf32, #tpu.memory_space<hbm>>
      tpu.wait_indirect_dma semaphore(%arg20 : memref<!tpu.dma_semaphore, #tpu.memory_space<semaphore_mem>>) src(%dma_wait3A_228 : memref<100000x128xf32, #tpu.memory_space<hbm>>) dst(%arg12 : memref<80x128xf32, #tpu.memory_space<vmem>>)
      %mul3A_229 = arith.constant 80 : i32
      %mul3A_230 = arith.muli %add3A_223, %mul3A_229 : i32
      %add3A_231 = arith.addi %mul3A_2, %mul3A_230 : i32
      %dma_start3A_232 = arith.constant 0 : i32
      %dma_start3A_233 = tpu.memref_slice %arg4[%add3A_231, %dma_start3A_232] : memref<819200x128xf32, #tpu.memory_space<hbm>> -> memref<80x128xf32, #tpu.memory_space<hbm>>
      %dma_start3A_234 = arith.constant 0 : i32
      %dma_start3A_235 = tpu.memref_slice %arg4[%add3A_231, %dma_start3A_234] : memref<819200x128xf32, #tpu.memory_space<hbm>> -> memref<80x128xf32, #tpu.memory_space<hbm>>
      tpu.enqueue_dma source(%arg12 : memref<80x128xf32, #tpu.memory_space<vmem>>) target(%dma_start3A_235 : memref<80x128xf32, #tpu.memory_space<hbm>>) target_semaphore(%arg28 : memref<!tpu.dma_semaphore, #tpu.memory_space<semaphore_mem>>)
      %add3A_236 = arith.constant 8 : i32
      %add3A_237 = arith.addi %add3A_223, %add3A_236 : i32
      %sub3A_238 = arith.constant 1 : i32
      %sub3A_239 = arith.subi %add3A_237, %sub3A_238 : i32
      %lt3A_240 = arith.constant 320 : i32
      %lt3A_241 = arith.cmpi slt, %sub3A_239, %lt3A_240 : i32
      %convert_element_type3A_242 = arith.extui %lt3A_241 : i1 to i32
      %cond3A_243 = arith.constant 0 : i32
      %cond3A_244 = arith.cmpi ne, %convert_element_type3A_242, %cond3A_243 : i32
      scf.if %cond3A_244 {
        %dma_wait3A_270 = arith.constant 0 : i32
        %dma_wait3A_271 = tpu.memref_slice %arg4[%mul3A_2, %dma_wait3A_270] : memref<819200x128xf32, #tpu.memory_space<hbm>> -> memref<80x128xf32, #tpu.memory_space<hbm>>
        %dma_wait3A_272 = arith.constant 0 : i32
        %dma_wait3A_273 = tpu.memref_slice %arg4[%mul3A_2, %dma_wait3A_272] : memref<819200x128xf32, #tpu.memory_space<hbm>> -> memref<80x128xf32, #tpu.memory_space<hbm>>
        tpu.wait_dma2 semaphore(%arg27 : memref<!tpu.dma_semaphore, #tpu.memory_space<semaphore_mem>>) src(%arg11 : memref<80x128xf32, #tpu.memory_space<vmem>>) dst(%dma_wait3A_273 : memref<80x128xf32, #tpu.memory_space<hbm>>)
        %mul3A_274 = arith.constant 80 : i32
        %mul3A_275 = arith.muli %sub3A_239, %mul3A_274 : i32
        %dma_start3A_276 = tpu.memref_slice %arg5[%mul3A_275] : memref<25600xi32, #tpu.memory_space<vmem>> -> memref<80xi32, #tpu.memory_space<vmem>>
        %dma_start3A_277 = arith.constant 0 : i32
        %dma_start3A_278 = arith.constant 0 : i32
        %dma_start3A_279 = tpu.memref_slice %arg3[%dma_start3A_277, %dma_start3A_278] : memref<100000x128xf32, #tpu.memory_space<hbm>> -> memref<100000x128xf32, #tpu.memory_space<hbm>>
        tpu.enqueue_indirect_dma source(%dma_start3A_279 : memref<100000x128xf32, #tpu.memory_space<hbm>>) target(%arg11 : memref<80x128xf32, #tpu.memory_space<vmem>>) offsets(%dma_start3A_276 : memref<80xi32, #tpu.memory_space<vmem>>) semaphore(%arg19 : memref<!tpu.dma_semaphore, #tpu.memory_space<semaphore_mem>>)
      } else {
      }
      %mul3A_245 = arith.constant 8 : i32
      %mul3A_246 = arith.muli %scan3A_73, %mul3A_245 : i32
      %add3A_247 = arith.constant 7 : i32
      %add3A_248 = arith.addi %mul3A_246, %add3A_247 : i32
      %dma_wait3A_249 = arith.constant 0 : i32
      %dma_wait3A_250 = tpu.memref_slice %arg5[%dma_wait3A_249] : memref<25600xi32, #tpu.memory_space<vmem>> -> memref<80xi32, #tpu.memory_space<vmem>>
      %dma_wait3A_251 = arith.constant 0 : i32
      %dma_wait3A_252 = arith.constant 0 : i32
      %dma_wait3A_253 = tpu.memref_slice %arg3[%dma_wait3A_251, %dma_wait3A_252] : memref<100000x128xf32, #tpu.memory_space<hbm>> -> memref<100000x128xf32, #tpu.memory_space<hbm>>
      tpu.wait_indirect_dma semaphore(%arg21 : memref<!tpu.dma_semaphore, #tpu.memory_space<semaphore_mem>>) src(%dma_wait3A_253 : memref<100000x128xf32, #tpu.memory_space<hbm>>) dst(%arg13 : memref<80x128xf32, #tpu.memory_space<vmem>>)
      %mul3A_254 = arith.constant 80 : i32
      %mul3A_255 = arith.muli %add3A_248, %mul3A_254 : i32
      %add3A_256 = arith.addi %mul3A_2, %mul3A_255 : i32
      %dma_start3A_257 = arith.constant 0 : i32
      %dma_start3A_258 = tpu.memref_slice %arg4[%add3A_256, %dma_start3A_257] : memref<819200x128xf32, #tpu.memory_space<hbm>> -> memref<80x128xf32, #tpu.memory_space<hbm>>
      %dma_start3A_259 = arith.constant 0 : i32
      %dma_start3A_260 = tpu.memref_slice %arg4[%add3A_256, %dma_start3A_259] : memref<819200x128xf32, #tpu.memory_space<hbm>> -> memref<80x128xf32, #tpu.memory_space<hbm>>
      tpu.enqueue_dma source(%arg13 : memref<80x128xf32, #tpu.memory_space<vmem>>) target(%dma_start3A_260 : memref<80x128xf32, #tpu.memory_space<hbm>>) target_semaphore(%arg29 : memref<!tpu.dma_semaphore, #tpu.memory_space<semaphore_mem>>)
      %add3A_261 = arith.constant 8 : i32
      %add3A_262 = arith.addi %add3A_248, %add3A_261 : i32
      %sub3A_263 = arith.constant 1 : i32
      %sub3A_264 = arith.subi %add3A_262, %sub3A_263 : i32
      %lt3A_265 = arith.constant 320 : i32
      %lt3A_266 = arith.cmpi slt, %sub3A_264, %lt3A_265 : i32
      %convert_element_type3A_267 = arith.extui %lt3A_266 : i1 to i32
      %cond3A_268 = arith.constant 0 : i32
      %cond3A_269 = arith.cmpi ne, %convert_element_type3A_267, %cond3A_268 : i32
      scf.if %cond3A_269 {
        %dma_wait3A_270 = arith.constant 0 : i32
        %dma_wait3A_271 = tpu.memref_slice %arg4[%mul3A_2, %dma_wait3A_270] : memref<819200x128xf32, #tpu.memory_space<hbm>> -> memref<80x128xf32, #tpu.memory_space<hbm>>
        %dma_wait3A_272 = arith.constant 0 : i32
        %dma_wait3A_273 = tpu.memref_slice %arg4[%mul3A_2, %dma_wait3A_272] : memref<819200x128xf32, #tpu.memory_space<hbm>> -> memref<80x128xf32, #tpu.memory_space<hbm>>
        tpu.wait_dma2 semaphore(%arg28 : memref<!tpu.dma_semaphore, #tpu.memory_space<semaphore_mem>>) src(%arg12 : memref<80x128xf32, #tpu.memory_space<vmem>>) dst(%dma_wait3A_273 : memref<80x128xf32, #tpu.memory_space<hbm>>)
        %mul3A_274 = arith.constant 80 : i32
        %mul3A_275 = arith.muli %sub3A_264, %mul3A_274 : i32
        %dma_start3A_276 = tpu.memref_slice %arg5[%mul3A_275] : memref<25600xi32, #tpu.memory_space<vmem>> -> memref<80xi32, #tpu.memory_space<vmem>>
        %dma_start3A_277 = arith.constant 0 : i32
        %dma_start3A_278 = arith.constant 0 : i32
        %dma_start3A_279 = tpu.memref_slice %arg3[%dma_start3A_277, %dma_start3A_278] : memref<100000x128xf32, #tpu.memory_space<hbm>> -> memref<100000x128xf32, #tpu.memory_space<hbm>>
        tpu.enqueue_indirect_dma source(%dma_start3A_279 : memref<100000x128xf32, #tpu.memory_space<hbm>>) target(%arg12 : memref<80x128xf32, #tpu.memory_space<vmem>>) offsets(%dma_start3A_276 : memref<80xi32, #tpu.memory_space<vmem>>) semaphore(%arg20 : memref<!tpu.dma_semaphore, #tpu.memory_space<semaphore_mem>>)
      } else {
      }
    }
    %scan3A_41 = arith.constant 40 : i32
    %dma_wait3A = arith.constant 0 : i32
    %dma_wait3A_42 = tpu.memref_slice %arg4[%mul3A_2, %dma_wait3A] : memref<819200x128xf32, #tpu.memory_space<hbm>> -> memref<80x128xf32, #tpu.memory_space<hbm>>
    %dma_wait3A_43 = arith.constant 0 : i32
    %dma_wait3A_44 = tpu.memref_slice %arg4[%mul3A_2, %dma_wait3A_43] : memref<819200x128xf32, #tpu.memory_space<hbm>> -> memref<80x128xf32, #tpu.memory_space<hbm>>
    tpu.wait_dma2 semaphore(%arg22 : memref<!tpu.dma_semaphore, #tpu.memory_space<semaphore_mem>>) src(%arg6 : memref<80x128xf32, #tpu.memory_space<vmem>>) dst(%dma_wait3A_44 : memref<80x128xf32, #tpu.memory_space<hbm>>)
    %dma_wait3A_45 = arith.constant 0 : i32
    %dma_wait3A_46 = tpu.memref_slice %arg4[%mul3A_2, %dma_wait3A_45] : memref<819200x128xf32, #tpu.memory_space<hbm>> -> memref<80x128xf32, #tpu.memory_space<hbm>>
    %dma_wait3A_47 = arith.constant 0 : i32
    %dma_wait3A_48 = tpu.memref_slice %arg4[%mul3A_2, %dma_wait3A_47] : memref<819200x128xf32, #tpu.memory_space<hbm>> -> memref<80x128xf32, #tpu.memory_space<hbm>>
    tpu.wait_dma2 semaphore(%arg23 : memref<!tpu.dma_semaphore, #tpu.memory_space<semaphore_mem>>) src(%arg7 : memref<80x128xf32, #tpu.memory_space<vmem>>) dst(%dma_wait3A_48 : memref<80x128xf32, #tpu.memory_space<hbm>>)
    %dma_wait3A_49 = arith.constant 0 : i32
    %dma_wait3A_50 = tpu.memref_slice %arg4[%mul3A_2, %dma_wait3A_49] : memref<819200x128xf32, #tpu.memory_space<hbm>> -> memref<80x128xf32, #tpu.memory_space<hbm>>
    %dma_wait3A_51 = arith.constant 0 : i32
    %dma_wait3A_52 = tpu.memref_slice %arg4[%mul3A_2, %dma_wait3A_51] : memref<819200x128xf32, #tpu.memory_space<hbm>> -> memref<80x128xf32, #tpu.memory_space<hbm>>
    tpu.wait_dma2 semaphore(%arg24 : memref<!tpu.dma_semaphore, #tpu.memory_space<semaphore_mem>>) src(%arg8 : memref<80x128xf32, #tpu.memory_space<vmem>>) dst(%dma_wait3A_52 : memref<80x128xf32, #tpu.memory_space<hbm>>)
    %dma_wait3A_53 = arith.constant 0 : i32
    %dma_wait3A_54 = tpu.memref_slice %arg4[%mul3A_2, %dma_wait3A_53] : memref<819200x128xf32, #tpu.memory_space<hbm>> -> memref<80x128xf32, #tpu.memory_space<hbm>>
    %dma_wait3A_55 = arith.constant 0 : i32
    %dma_wait3A_56 = tpu.memref_slice %arg4[%mul3A_2, %dma_wait3A_55] : memref<819200x128xf32, #tpu.memory_space<hbm>> -> memref<80x128xf32, #tpu.memory_space<hbm>>
    tpu.wait_dma2 semaphore(%arg25 : memref<!tpu.dma_semaphore, #tpu.memory_space<semaphore_mem>>) src(%arg9 : memref<80x128xf32, #tpu.memory_space<vmem>>) dst(%dma_wait3A_56 : memref<80x128xf32, #tpu.memory_space<hbm>>)
    %dma_wait3A_57 = arith.constant 0 : i32
    %dma_wait3A_58 = tpu.memref_slice %arg4[%mul3A_2, %dma_wait3A_57] : memref<819200x128xf32, #tpu.memory_space<hbm>> -> memref<80x128xf32, #tpu.memory_space<hbm>>
    %dma_wait3A_59 = arith.constant 0 : i32
    %dma_wait3A_60 = tpu.memref_slice %arg4[%mul3A_2, %dma_wait3A_59] : memref<819200x128xf32, #tpu.memory_space<hbm>> -> memref<80x128xf32, #tpu.memory_space<hbm>>
    tpu.wait_dma2 semaphore(%arg26 : memref<!tpu.dma_semaphore, #tpu.memory_space<semaphore_mem>>) src(%arg10 : memref<80x128xf32, #tpu.memory_space<vmem>>) dst(%dma_wait3A_60 : memref<80x128xf32, #tpu.memory_space<hbm>>)
    %dma_wait3A_61 = arith.constant 0 : i32
    %dma_wait3A_62 = tpu.memref_slice %arg4[%mul3A_2, %dma_wait3A_61] : memref<819200x128xf32, #tpu.memory_space<hbm>> -> memref<80x128xf32, #tpu.memory_space<hbm>>
    %dma_wait3A_63 = arith.constant 0 : i32
    %dma_wait3A_64 = tpu.memref_slice %arg4[%mul3A_2, %dma_wait3A_63] : memref<819200x128xf32, #tpu.memory_space<hbm>> -> memref<80x128xf32, #tpu.memory_space<hbm>>
    tpu.wait_dma2 semaphore(%arg27 : memref<!tpu.dma_semaphore, #tpu.memory_space<semaphore_mem>>) src(%arg11 : memref<80x128xf32, #tpu.memory_space<vmem>>) dst(%dma_wait3A_64 : memref<80x128xf32, #tpu.memory_space<hbm>>)
    %dma_wait3A_65 = arith.constant 0 : i32
    %dma_wait3A_66 = tpu.memref_slice %arg4[%mul3A_2, %dma_wait3A_65] : memref<819200x128xf32, #tpu.memory_space<hbm>> -> memref<80x128xf32, #tpu.memory_space<hbm>>
    %dma_wait3A_67 = arith.constant 0 : i32
    %dma_wait3A_68 = tpu.memref_slice %arg4[%mul3A_2, %dma_wait3A_67] : memref<819200x128xf32, #tpu.memory_space<hbm>> -> memref<80x128xf32, #tpu.memory_space<hbm>>
    tpu.wait_dma2 semaphore(%arg28 : memref<!tpu.dma_semaphore, #tpu.memory_space<semaphore_mem>>) src(%arg12 : memref<80x128xf32, #tpu.memory_space<vmem>>) dst(%dma_wait3A_68 : memref<80x128xf32, #tpu.memory_space<hbm>>)
    %dma_wait3A_69 = arith.constant 0 : i32
    %dma_wait3A_70 = tpu.memref_slice %arg4[%mul3A_2, %dma_wait3A_69] : memref<819200x128xf32, #tpu.memory_space<hbm>> -> memref<80x128xf32, #tpu.memory_space<hbm>>
    %dma_wait3A_71 = arith.constant 0 : i32
    %dma_wait3A_72 = tpu.memref_slice %arg4[%mul3A_2, %dma_wait3A_71] : memref<819200x128xf32, #tpu.memory_space<hbm>> -> memref<80x128xf32, #tpu.memory_space<hbm>>
    tpu.wait_dma2 semaphore(%arg29 : memref<!tpu.dma_semaphore, #tpu.memory_space<semaphore_mem>>) src(%arg13 : memref<80x128xf32, #tpu.memory_space<vmem>>) dst(%dma_wait3A_72 : memref<80x128xf32, #tpu.memory_space<hbm>>)
    return
  }
}

</mosaic_0001>

<sc_bundles>
// kernel: kernel.3.cloned.1.call-start
scs
__scs_entry_jumppad:
0x0: {  	(pc) =	sbr.rel $0x88, $3  }
0x1: {  	(tag) =	ssettag $0x0;
	lr =	simm.s32 $0x1  }
0x2: {  	[smem:$0x3F9F] =	sst lr;
	_ =	strace $0xD0000000  }
0x3: {  	_ = 	snop  }
0x4: {  	_ = 	snop  }
0x5: {  	_ = 	snop  }
0x6: {  	_ = 	snop  }
0x7: {  	_ = 	snop  }
__scs_overlays_trampoline_lowered:
0x8: {  	[smem:$0x3FAE] =	sst s0  }
0x9: {  	[smem:$0x3FAF] =	sst s1  }
0xa: {  	[smem:$0x3FB0] =	sst s2  }
0xb: {  	[smem:$0x3FB1] =	sst s3  }
0xc: {  	[smem:$0x3FB2] =	sst s4  }
0xd: {  	[smem:$0x3FB3] =	sst s5  }
0xe: {  	[smem:$0x3FB4] =	sst s6  }
0xf: {  	[smem:$0x3FB5] =	sst s7  }
0x10: {  	[smem:$0x3FB6] =	sst s8  }
0x11: {  	[smem:$0x3FB7] =	sst s9;
	s0 =	simm.s32 @!p0 $0x0  }
0x12: {  	s1 =	sld [smem:$0x3F9D];
	s0 =	simm.s32 @p0 $0x1  }
0x13: {  	[smem:$0x3FB8] =	sst s0;
	s0 =	simm.s32 @!p1 $0x0  }
0x14: {  	s2 =	sld [smem:$0x3F9C];
	s0 =	simm.s32 @p1 $0x1  }
0x15: {  	[smem:$0x3FB9] =	sst s0;
	s0 =	simm.s32 @!p2 $0x0  }
0x16: {  	s3 =	sld [smem:$0x3FDB];
	s0 =	simm.s32 @p2 $0x1  }
0x17: {  	s4 =	simm.s32 $0x1BF5;
	[smem:$0x3FBB] =	sst s0  }
0x18: {  	s0 =	sld [smem:$0x3F9E];
	_ =	swait.ge [sflag:s4], $0x0  }
0x19: {  	s7 =	sld [smem:$0x3F9F]  }
0x1a: {  	s8 =	sadd.s32 $0xFFFFE003, lr  }
0x1b: {  	s9 =	sadd.s32 $0xFFFFFEF7, lr;
	s5 =	simm.s32 $0xFFFFFFFF;
	p2 =	slt.u32 s8, $0xFFFFF086  }
0x1c: {  	p1 =	slt.u32 s9, $0xF7A;
	s5 =	simm.s32 @!p2 $0x0  }
0x1d: {  	s5 =	simm.s32 @p1 $0x1;
	p0 =	seq.s32 s7, s2  }
0x1e: {  	s7 =	smul.u32 @!p0 $0xF7A, s2;
	p2 =	seq.s32 @!p0 s5, $0x0  }
0x1f: {  	s9 =	smul.u32 $0xF7A, s1;
	s8 =	simm.s32 @!p0 $0x1BF5;
	p2 =	por !p2, p0  }
0x20: {  	[sflag:s8] =	ssyncset.s32 @!p0 $0xFFFFF086;
	s6 =	sadd.s32 @!p0 s3, s7;
	s7 =	simm.s32 @!p0 $0x108  }
0x21: {  	s3 =	sadd.s32 s3, s9;
	s6 =	sadd.s32 @!p0 $0x88, s6;
	s7 =	simm.s32 @p2 $0x1082  }
0x22: {  	[simem:s7], [sflag:s8] =	dma.local @!p0 [hbm:s6], $0xF7A  }
0x23: {  	s9 =	sor.u32 $0xD0000000, s2;
	s6 =	simm.s32 $0x108;
	_ =	swait.ge @!p0 [sflag:s8], $0x0  }
0x24: {  	s3 =	sadd.s32 $0x88, s3;
	s6 =	simm.s32 @!p1 $0x1082;
	[sflag:s4] =	ssyncset.s32 $0xFFFFF086  }
0x25: {  	[simem:s6], [sflag:s4] =	dma.local [hbm:s3], $0xF7A  }
0x26: {  	[smem:$0x3F9F] =	sst s1;
	(tag) =	ssettag s2;
	_ =	strace s9  }
0x27: {  	s1 =	sld [smem:$0x3FAF]  }
0x28: {  	s2 =	sld [smem:$0x3FB0]  }
0x29: {  	s4 =	sld [smem:$0x3FB2]  }
0x2a: {  	p0 =	seq.s32 s5, $0x0;
	s5 =	sld [smem:$0x3FB3]  }
0x2b: {  	s6 =	sld [smem:$0x3FB4]  }
0x2c: {  	s7 =	sld [smem:$0x3FB5]  }
0x2d: {  	s3 =	simm.s32 $0x108;
	s8 =	sld [smem:$0x3FB6]  }
0x2e: {  	s3 =	simm.s32 @!p0 $0x1082;
	s9 =	sld [smem:$0x3FB7]  }
0x2f: {  	lr =	sadd.s32 s0, s3;
	s0 =	sld [smem:$0x3FAE]  }
0x30: {  	s3 =	sld [smem:$0x3FB1]  }
0x31: {  	[smem:$0x3FBA] =	sst s10  }
0x32: {  	s10 =	sld [smem:$0x3FB8];
	_ =	sdelay $0x3  }
0x33: {  	p0 =	seq.s32 s10, $0x1;
	s10 =	sld [smem:$0x3FBA];
	_ =	sdelay $0x3  }
0x34: {  	[smem:$0x3FBA] =	sst s10  }
0x35: {  	s10 =	sld [smem:$0x3FB9];
	_ =	sdelay $0x3  }
0x36: {  	p1 =	seq.s32 s10, $0x1;
	s10 =	sld [smem:$0x3FBA];
	_ =	sdelay $0x3  }
0x37: {  	[smem:$0x3FBA] =	sst s10  }
0x38: {  	s10 =	sld [smem:$0x3FBB]  }
0x39: {  	_ = 	snop;
	(pc) =	sbr.ind lr, $3  }
0x3a: {  	_ = 	snop  }
0x3b: {  	_ = 	snop  }
0x3c: {  	p2 =	seq.s32 s10, $0x1;
	s10 =	sld [smem:$0x3FBA]  }
0x3d: {  	_ =	shalt  }
0x3e: {  	_ =	shalt  }
0x3f: {  	_ =	shalt  }
0x40: {  	_ =	shalt  }
0x41: {  	_ =	shalt  }
0x42: {  	_ =	shalt  }
0x43: {  	_ =	shalt  }
0x44: {  	_ =	shalt  }
0x45: {  	_ =	shalt  }
0x46: {  	_ =	shalt  }
0x47: {  	_ =	shalt  }
0x48: {  	_ =	shalt  }
0x49: {  	_ =	shalt  }
0x4a: {  	_ =	shalt  }
0x4b: {  	_ =	shalt  }
0x4c: {  	_ =	shalt  }
0x4d: {  	_ =	shalt  }
0x4e: {  	_ =	shalt  }
0x4f: {  	_ =	shalt  }
0x50: {  	_ =	shalt  }
0x51: {  	_ =	shalt  }
0x52: {  	_ =	shalt  }
0x53: {  	_ =	shalt  }
0x54: {  	_ =	shalt  }
0x55: {  	_ =	shalt  }
0x56: {  	_ =	shalt  }
0x57: {  	_ =	shalt  }
0x58: {  	_ =	shalt  }
0x59: {  	_ =	shalt  }
0x5a: {  	_ =	shalt  }
0x5b: {  	_ =	shalt  }
0x5c: {  	_ =	shalt  }
0x5d: {  	_ =	shalt  }
0x5e: {  	_ =	shalt  }
0x5f: {  	_ =	shalt  }
0x60: {  	_ =	shalt  }
0x61: {  	_ =	shalt  }
0x62: {  	_ =	shalt  }
0x63: {  	_ =	shalt  }
0x64: {  	_ =	shalt  }
0x65: {  	_ =	shalt  }
0x66: {  	_ =	shalt  }
0x67: {  	_ =	shalt  }
0x68: {  	_ =	shalt  }
0x69: {  	_ =	shalt  }
0x6a: {  	_ =	shalt  }
0x6b: {  	_ =	shalt  }
0x6c: {  	_ =	shalt  }
0x6d: {  	_ =	shalt  }
0x6e: {  	_ =	shalt  }
0x6f: {  	_ =	shalt  }
0x70: {  	_ =	shalt  }
0x71: {  	_ =	shalt  }
0x72: {  	_ =	shalt  }
0x73: {  	_ =	shalt  }
0x74: {  	_ =	shalt  }
0x75: {  	_ =	shalt  }
0x76: {  	_ =	shalt  }
0x77: {  	_ =	shalt  }
0x78: {  	_ =	shalt  }
0x79: {  	_ =	shalt  }
0x7a: {  	_ =	shalt  }
0x7b: {  	_ =	shalt  }
0x7c: {  	_ =	shalt  }
0x7d: {  	_ =	shalt  }
0x7e: {  	_ =	shalt  }
0x7f: {  	_ =	shalt  }
0x80: {  	_ =	shalt  }
0x81: {  	_ =	shalt  }
0x82: {  	_ =	shalt  }
0x83: {  	_ =	shalt  }
0x84: {  	_ =	shalt  }
0x85: {  	_ =	shalt  }
0x86: {  	_ =	shalt  }
0x87: {  	_ =	shalt  }
.Lfunc_end0:
.L_simem_size_0:
called_computation_lowered:
.L_overlay_start_0:
0x88: {  	s2 =	sld [smem:$0x3FD9]  }
0x89: {  	s3 =	sld [smem:$0x3FFE];
	_ =	sdelay $0x1  }
0x8a: {  	s1 =	srdreg.scid  }
0x8b: {  	s0 =	sand.u32 $0x1, s1  }
0x8c: {  	s17 =	sshll.u32 s0, $0xA;
	s2 =	sadd.s32 s3, s2  }
0x8d: {  	s2 =	sadd.s32 s2, s17  }
0x8e: {  	[smem:$0x3FC6] =	sst s2  }
0x8f: {  	_ = 	snop  }
0x90: {  	s2 =	sld [smem:$0x3FC8]  }
0x91: {  	s18 =	sld [smem:$0x3FD0];
	(tm) =	ssettm $0x1  }
0x92: {  	s4 =	sld [smem:$0x3FFB];
	_ =	sdelay $0x3  }
0x93: {  	_ =	strace s4  }
0x94: {  	s4 =	sld [smem:$0x3FFC];
	_ =	sdelay $0x3  }
0x95: {  	_ =	strace s4  }
0x96: {  	s4 =	sld [smem:$0x3FFD];
	_ =	sdelay $0x3  }
0x97: {  	_ =	strace s4  }
0x98: {  	_ =	strace $0x8FFFFFFF  }
0x99: {  	s19 =	sld [smem:$0x3FDB];
	_ =	sdelay $0x1  }
0x9a: {  	s5 =	simm.s32 $_scs_section_size  }
0x9b: {  	s6 =	simm.s32 $_size__tile_overlayer_lowered;
	s7 =	simm.s32 $_tile_overlayer_lowered  }
0x9c: {  	s22 =	simm.s32 $0x1BFF;
	s21 =	sshll.u32 s7, $0x1;
	s4 =	sadd.s32 s5, s19  }
0x9d: {  	s8 =	simm.s32 $0x0;
	s20 =	sshll.u32 s6, $0x1;
	s6 =	sadd.s32 s21, s4  }
0x9e: {  	[timem:s8], [sflag:s22] =	dma.local [hbm:s6], s20  }
0x9f: {  	_ =	swait.ge [sflag:s22], s20  }
0xa0: {  	s5 =	ssub.s32 $0x0, s20;
	[sflag:s22] =	ssyncset.done $0x0  }
0xa1: {  	[sflag:s22] =	ssyncadd.s32 s5;
	_ =	sdelay $0x1  }
0xa2: {  	s23 =	simm.s32 $0x1B8B  }
0xa3: {  	_ =	swait.ge [sflag:s23], $0x1  }
0xa4: {  	[sflag:s23] =	ssyncset.done $0x0  }
0xa5: {  	s25 =	simm.s32 $0x1B8E;
	s24 =	sld [smem:$0x3FFE];
	[sflag:s23] =	ssyncadd.s32 $0xFFFFFFFF  }
0xa6: {  	s26 =	simm.s32 $execute0_lowered;
	[smem:$0x3FD2] =	sst s25  }
0xa7: {  	s6 =	sshll.u32 s26, $0x1;
	_ =	strace $0x80000046;
	[dreg:$0x1] =	wrdreg $0xFFFFFFFF  }
0xa8: {  	s28 =	simm.s32 $_size_execute0_lowered;
	s4 =	sadd.s32 s4, s6;
	[dreg:$0x0] =	wrdreg $0x0  }
0xa9: {  	s6 =	sshll.u32 s28, $0x1;
	[dreg:$0x2] =	wrdreg s4  }
0xaa: {  	[dreg:$0x3] =	wrdreg s6  }
0xab: {  	[dreg:$0x4] =	wrdreg $0xC0  }
0xac: {  	_ =	task [dreg:s8], $0x5FFFF  }
0xad: {  	[dreg:$0x1] =	wrdreg $0xFFFFFFFF  }
0xae: {  	[dreg:$0x0] =	wrdreg $0x60  }
0xaf: {  	[dreg:$0x2] =	wrdreg s24  }
0xb0: {  	[dreg:$0x3] =	wrdreg s2  }
0xb1: {  	[dreg:$0x4] =	wrdreg s18  }
0xb2: {  	[dreg:$0x5] =	wrdreg $0x9  }
0xb3: {  	_ =	task.clear_ibuf [dreg:s8], $0x6FFFF;
	_ =	strace $0x90000046  }
0xb4: {  	s29 =	simm.s32 $0x9;
	_ =	strace $0x80000048  }
0xb5: {  	_ =	swait.ge [sflag:s29], $0x1  }
0xb6: {  	[sflag:s29] =	ssyncadd.s32 $0xFFFFFFFF  }
0xb7: {  	_ =	strace $0x90000048  }
0xb8: {  	_ =	sfence  }
0xb9: {  	s30 =	sld [smem:$0x0];
	_ =	sdelay $0x2  }
0xba: {  	s31 =	sshll.u32 s1, $0xD;
	s1 =	sshrl.u32 s1, $0x2  }
0xbb: {  	s3 =	sand.u32 $0x4000, s31;
	s1 =	sadd.s32 s1, s30  }
0xbc: {  	s0 =	sor.u32 s3, s0;
	s1 =	sshll.u32 s1, $0x11  }
0xbd: {  	s0 =	sor.u32 s1, s0  }
0xbe: {  	s0 =	sadd.s32 $0x8F2B, s0  }
0xbf: {  	[sflag:s0] =	ssyncadd.remote.s32 $0x1  }
0xc0: {  	_ =	sfence.sel $0xFFFF  }
0xc1: {  	[dreg:$0x0] =	wrdreg $0xFFFFFFFF;
	(pc) =	sbr.abs _section_cstart, $3  }
0xc2: {  	[dreg:$0x1] =	wrdreg $0xFFFFFFFF  }
0xc3: {  	_ =	task.clear_ibuf [dreg:s8], $0x2FFFF;
	_ =	strace $0x9FFFFFFF  }
0xc4: {  	(tm) =	ssettm $0x7FFFFFFF  }
0xc5: {  	_ =	shalt  }
tec
execute0_lowered:
.L_overlay_start_1:
0x0: {  	(tag) =	ssettag $0x1  }
0x1: {  	s0 =	rddreg [dreg:$0x0]  }
0x2: {  	s2 =	rddreg [dreg:$0x1]  }
0x3: {  	s1 =	srdreg.scid;
	s9 =	stileid.u32  }
0x4: {  	s4 =	rddreg [dreg:$0x2];
	s3 =	simm.s32 $0x0;
	s11 =	simm.s32 $0x50  }
0x5: {  	s12 =	simm.s32 $0x6400;
	s13 =	simm.s32 $0x8C00;
	s17 =	simm.s32 $0xDC00  }
0x6: {  	s21 =	simm.s32 $0x12C00;
	s28 =	simm.s32 $0x4;
	s29 =	simm.s32 $0x6  }
0x7: {  	s30 =	simm.s32 $0x8;
	s16 =	simm.s32 $0xE;
	s18 =	simm.s32 $0xF  }
0x8: {  	s19 =	simm.s32 $0x10;
	s1 =	sand.u32 $0x1, s1;
	s5 =	sshll.u32 s9, $0x1  }
0x9: {  	s20 =	simm.s32 $0x0;
	s24 =	smul.u32 $0xC8000, s9;
	s5 =	sor.u32 s1, s5  }
0xa: {  	[smem:$0x7FF] =	sst s3;
	s7 =	ssub.s32 $0x2, s1;
	s6 =	smul.u32 $0x6400, s5  }
0xb: {  	_ =	strace $0x80000047;
	s8 =	sshrl.u32 s7, $0x1;
	s5 =	smul.u32 $0x64000, s5  }
0xc: {  	s1 =	smul.u32 $0x64000, s1;
	s23 =	ssub.s32 s7, s8;
	s6 =	sshrl.u32 s6, $0x3  }
0xd: {  	s25 =	sadd.s32 s4, s5;
	s26 =	smax.u32 s23, $0x1;
	s4 =	sadd.s32 s24, s4  }
.Ltmp0:
0xe: {  	s23 =	simm.s32 $0x15400;
	s24 =	simm.s32 $0x1;
	(pc) =	sbr.rel .LBB2_1-.Ltmp0, $4  }
0xf: {  	s0 =	sadd.s32 s6, s0;
	[dreg:$0x5] =	wrdreg s26;
	s6 =	sadd.s32 $0x62200, s25  }
0x10: {  	s7 =	sadd.s32 $0x62C00, s25;
	s31 =	sadd.s32 s1, s4;
	s0 =	sadd.s32 $0x400, s0  }
0x11: {  	s8 =	sadd.s32 $0x63600, s25;
	[dreg:$0x4] =	wrdreg s0;
	s0 =	sadd.s32 $0x1400, s31  }
0x12: {  	s25 =	simm.s32 $0x17C00;
	s26 =	simm.s32 $0x2;
	[dreg:$0x6] =	wrdreg s0  }
.LBB2_4:
0x13: {  	s0 =	simm.s32 $0x9  }
0x14: {  	_ =	swait.ge [sflag:s0], $0x2800  }
0x15: {  	[sflag:s0] =	ssyncset.done $0x0  }
0x16: {  	s10 =	simm.s32 $0xA;
	[sflag:s0] =	ssyncadd.s32 $0xFFFFD800  }
0x17: {  	_ =	swait.ge [sflag:s10], $0x2800  }
0x18: {  	[sflag:s10] =	ssyncset.done $0x0  }
0x19: {  	s14 =	simm.s32 $0xB;
	[sflag:s10] =	ssyncadd.s32 $0xFFFFD800  }
0x1a: {  	_ =	swait.ge [sflag:s14], $0x2800  }
0x1b: {  	[sflag:s14] =	ssyncset.done $0x0  }
0x1c: {  	s15 =	simm.s32 $0xC;
	[sflag:s14] =	ssyncadd.s32 $0xFFFFD800  }
0x1d: {  	_ =	swait.ge [sflag:s15], $0x2800  }
0x1e: {  	[sflag:s15] =	ssyncset.done $0x0  }
0x1f: {  	s22 =	simm.s32 $0xD;
	[sflag:s15] =	ssyncadd.s32 $0xFFFFD800  }
0x20: {  	_ =	swait.ge [sflag:s22], $0x2800  }
0x21: {  	[sflag:s22] =	ssyncset.done $0x0  }
0x22: {  	[sflag:s22] =	ssyncadd.s32 $0xFFFFD800  }
0x23: {  	_ =	swait.ge [sflag:s16], $0x2800  }
0x24: {  	[sflag:s16] =	ssyncset.done $0x0  }
0x25: {  	[sflag:s16] =	ssyncadd.s32 $0xFFFFD800  }
0x26: {  	_ =	swait.ge [sflag:s18], $0x2800  }
0x27: {  	[sflag:s18] =	ssyncset.done $0x0  }
0x28: {  	[sflag:s18] =	ssyncadd.s32 $0xFFFFD800  }
0x29: {  	_ =	swait.ge [sflag:s19], $0x2800  }
0x2a: {  	s20 =	sadd.s32 $0x1, s20;
	s31 =	rddreg [dreg:$0x5]  }
0x2b: {  	p0 =	sne.s32 s20, s31  }
.Ltmp1:
0x2c: {  	_ = 	snop;
	(pc) =	sbr.rel @!p0 .LBB2_5-.Ltmp1, $3  }
0x2d: {  	_ =	sdelay $0x1  }
0x2e: {  	[sflag:s19] =	ssyncset.done $0x0  }
0x2f: {  	[sflag:s19] =	ssyncadd.s32 $0xFFFFD800  }
.LBB2_1:
0x30: {  	s0 =	rddreg [dreg:$0x4];
	s5 =	simm.s32 $0x11  }
0x31: {  	[tilespmem:s3], [sflag:$0x11] =	stream.linear.gather [hbm4b:s0+s3], $0x6400, $0x38;
	[tilespmem:$0x1A400] =	vst v63  }
0x32: {  	_ =	swait.ge [sflag:s5], $0x6400  }
0x33: {  	[sflag:s5] =	ssyncset.done $0x0  }
0x34: {  	[sflag:s5] =	ssyncadd.s32 $0xFFFF9C00  }
0x35: {  	[tilespmem:s12], [sflag:$0x1] =	stream.indirect.gather [hbm4b:s2+s11], $0x80, s3, s11, $0xb8;
	[tilespmem:$0x1A400] =	vst v63  }
0x36: {  	_ = 	snop  }
0x37: {  	[tilespmem:s13], [sflag:$0x2] =	stream.indirect.gather [hbm4b:s2+s11], $0x80, s11, s11, $0xb8;
	[tilespmem:$0x1A400] =	vst v63  }
0x38: {  	s9 =	simm.s32 $0xA0;
	s1 =	simm.s32 $0xB400  }
0x39: {  	[tilespmem:s1], [sflag:$0x3] =	stream.indirect.gather [hbm4b:s2+s11], $0x80, s9, s11, $0xb8;
	[tilespmem:$0x1A400] =	vst v63  }
0x3a: {  	s10 =	simm.s32 $0xF0  }
0x3b: {  	[tilespmem:s17], [sflag:$0x4] =	stream.indirect.gather [hbm4b:s2+s11], $0x80, s10, s11, $0xb8;
	[tilespmem:$0x1A400] =	vst v63  }
0x3c: {  	s14 =	simm.s32 $0x140;
	s15 =	simm.s32 $0x10400  }
0x3d: {  	[tilespmem:s15], [sflag:$0x5] =	stream.indirect.gather [hbm4b:s2+s11], $0x80, s14, s11, $0xb8;
	[tilespmem:$0x1A400] =	vst v63  }
0x3e: {  	s22 =	simm.s32 $0x190  }
0x3f: {  	[tilespmem:s21], [sflag:$0x6] =	stream.indirect.gather [hbm4b:s2+s11], $0x80, s22, s11, $0xb8;
	[tilespmem:$0x1A400] =	vst v63  }
0x40: {  	s31 =	simm.s32 $0x1E0;
	s4 =	simm.s32 $0x0;
	s9 =	rddreg [dreg:$0x6]  }
0x41: {  	[tilespmem:s23], [sflag:$0x7] =	stream.indirect.gather [hbm4b:s2+s11], $0x80, s31, s11, $0xb8;
	[tilespmem:$0x1A400] =	vst v63  }
.LBB2_2:
0x42: {  	_ =	swait.ge [sflag:s24], $0x2800  }
0x43: {  	[sflag:s24] =	ssyncset.done $0x0  }
0x44: {  	s1 =	sadd.s32 $0xFFFFEC00, s9;
	p0 =	seq.s32 s4, $0x0;
	[sflag:s24] =	ssyncadd.s32 $0xFFFFD800  }
0x45: {  	[hbm4b:s1+s3] =	stream.linear.scatter [tilespmem:s12], [sflag:$0x9], $0x2800, $0x38;
	[tilespmem:$0x1A400] =	vst v63  }
0x46: {  	s1 =	simm.s32 @!p0 $0x10  }
0x47: {  	_ =	swait.ge @!p0 [sflag:s1], $0x2800  }
0x48: {  	s5 =	sshra.s32 s4, $0x2;
	[sflag:s1] =	ssyncset.done @!p0 $0x0  }
0x49: {  	s10 =	sadd.s32 $0x230, s5;
	[sflag:s1] =	ssyncadd.s32 @!p0 $0xFFFFD800  }
0x4a: {  	[tilespmem:s25], [sflag:$0x8] =	stream.indirect.gather [hbm4b:s2+s11], $0x80, s10, s11, $0xb8;
	[tilespmem:$0x1A400] =	vst v63  }
0x4b: {  	_ =	swait.ge [sflag:s26], $0x2800  }
0x4c: {  	p0 =	seq.s32 s4, $0x18600;
	[sflag:s26] =	ssyncset.done $0x0  }
0x4d: {  	s14 =	sadd.s32 $0xFFFFF100, s9;
	s1 =	simm.s32 @p0 $0x3;
	[sflag:s26] =	ssyncadd.s32 $0xFFFFD800  }
0x4e: {  	[hbm4b:s14+s3] =	stream.linear.scatter [tilespmem:s13], [sflag:$0xA], $0x2800, $0x38;
	[tilespmem:$0x1A400] =	vst v63  }
0x4f: {  	_ =	swait.ge @p0 [sflag:s1], $0x2800  }
0x50: {  	[sflag:s1] =	ssyncset.done @p0 $0x0  }
0x51: {  	s31 =	simm.s32 @p0 $0x0;
	[sflag:s1] =	ssyncadd.s32 @p0 $0xFFFFD800;
	s1 =	simm.s32 @p0 $0xB400  }
0x52: {  	[hbm4b:s6+s31] =	stream.linear.scatter @p0 [tilespmem:s1], [sflag:$0xB], $0x2800, $0x38;
	[tilespmem:$0x1A400] =	vst v63  }
0x53: {  	s1 =	simm.s32 @!p0 $0x9  }
0x54: {  	_ =	swait.ge @!p0 [sflag:s1], $0x2800  }
0x55: {  	s22 =	sshra.s32 @!p0 s4, $0x2;
	s10 =	simm.s32 @!p0 $0x50;
	[sflag:s1] =	ssyncset.done @!p0 $0x0  }
0x56: {  	s0 =	simm.s32 @!p0 $0x6400;
	[sflag:s1] =	ssyncadd.s32 @!p0 $0xFFFFD800;
	s1 =	sadd.s32 @!p0 $0x280, s22  }
0x57: {  	[tilespmem:s0], [sflag:$0x1] =	stream.indirect.gather @!p0 [hbm4b:s2+s10], $0x80, s1, s10, $0xb8;
	[tilespmem:$0x1A400] =	vst v63  }
0x58: {  	s0 =	simm.s32 @!p0 $0x3  }
0x59: {  	_ =	swait.ge @!p0 [sflag:s0], $0x2800  }
0x5a: {  	s14 =	simm.s32 @!p0 $0xB400;
	[sflag:s0] =	ssyncset.done @!p0 $0x0  }
0x5b: {  	s1 =	simm.s32 @!p0 $0x0;
	[sflag:s0] =	ssyncadd.s32 @!p0 $0xFFFFD800;
	s0 =	sadd.s32 @!p0 $0xFFFFF600, s9  }
0x5c: {  	[hbm4b:s0+s1] =	stream.linear.scatter @!p0 [tilespmem:s14], [sflag:$0xB], $0x2800, $0x38;
	[tilespmem:$0x1A400] =	vst v63  }
0x5d: {  	s0 =	simm.s32 @!p0 $0xA  }
0x5e: {  	_ =	swait.ge @!p0 [sflag:s0], $0x2800  }
0x5f: {  	[sflag:s0] =	ssyncset.done @!p0 $0x0  }
0x60: {  	s15 =	simm.s32 @!p0 $0x8C00;
	[sflag:s0] =	ssyncadd.s32 @!p0 $0xFFFFD800;
	s0 =	sadd.s32 @!p0 $0x2D0, s22  }
0x61: {  	[tilespmem:s15], [sflag:$0x2] =	stream.indirect.gather @!p0 [hbm4b:s2+s10], $0x80, s0, s10, $0xb8;
	[tilespmem:$0x1A400] =	vst v63  }
0x62: {  	_ =	swait.ge [sflag:s28], $0x2800  }
0x63: {  	[sflag:s28] =	ssyncset.done $0x0  }
0x64: {  	s15 =	sadd.s32 $0xFFFFFB00, s9;
	s0 =	simm.s32 @p0 $0x5;
	[sflag:s28] =	ssyncadd.s32 $0xFFFFD800  }
0x65: {  	[hbm4b:s15+s3] =	stream.linear.scatter [tilespmem:s17], [sflag:$0xC], $0x2800, $0x38;
	[tilespmem:$0x1A400] =	vst v63  }
0x66: {  	_ =	swait.ge @p0 [sflag:s0], $0x2800  }
0x67: {  	[sflag:s0] =	ssyncset.done @p0 $0x0  }
0x68: {  	[sflag:s0] =	ssyncadd.s32 @p0 $0xFFFFD800;
	s0 =	simm.s32 @p0 $0x10400  }
0x69: {  	[hbm4b:s7+s31] =	stream.linear.scatter @p0 [tilespmem:s0], [sflag:$0xD], $0x2800, $0x38;
	[tilespmem:$0x1A400] =	vst v63  }
0x6a: {  	s0 =	simm.s32 @!p0 $0xB  }
0x6b: {  	_ =	swait.ge @!p0 [sflag:s0], $0x2800  }
0x6c: {  	[sflag:s0] =	ssyncset.done @!p0 $0x0  }
0x6d: {  	[sflag:s0] =	ssyncadd.s32 @!p0 $0xFFFFD800;
	s0 =	sadd.s32 @!p0 $0x320, s22  }
0x6e: {  	[tilespmem:s14], [sflag:$0x3] =	stream.indirect.gather @!p0 [hbm4b:s2+s10], $0x80, s0, s10, $0xb8;
	[tilespmem:$0x1A400] =	vst v63  }
0x6f: {  	s0 =	simm.s32 @!p0 $0x5  }
0x70: {  	_ =	swait.ge @!p0 [sflag:s0], $0x2800  }
0x71: {  	[sflag:s0] =	ssyncset.done @!p0 $0x0  }
0x72: {  	s14 =	simm.s32 @!p0 $0xC;
	[sflag:s0] =	ssyncadd.s32 @!p0 $0xFFFFD800;
	s0 =	simm.s32 @!p0 $0x10400  }
0x73: {  	[hbm4b:s9+s1] =	stream.linear.scatter @!p0 [tilespmem:s0], [sflag:$0xD], $0x2800, $0x38;
	[tilespmem:$0x1A400] =	vst v63  }
0x74: {  	_ =	swait.ge @!p0 [sflag:s14], $0x2800  }
0x75: {  	[sflag:s14] =	ssyncset.done @!p0 $0x0  }
0x76: {  	s15 =	simm.s32 @!p0 $0xDC00;
	[sflag:s14] =	ssyncadd.s32 @!p0 $0xFFFFD800;
	s14 =	sadd.s32 @!p0 $0x370, s22  }
0x77: {  	[tilespmem:s15], [sflag:$0x4] =	stream.indirect.gather @!p0 [hbm4b:s2+s10], $0x80, s14, s10, $0xb8;
	[tilespmem:$0x1A400] =	vst v63  }
0x78: {  	_ =	swait.ge [sflag:s29], $0x2800  }
0x79: {  	[sflag:s29] =	ssyncset.done $0x0  }
0x7a: {  	s15 =	sadd.s32 $0x500, s9;
	s14 =	simm.s32 @p0 $0x7;
	[sflag:s29] =	ssyncadd.s32 $0xFFFFD800  }
0x7b: {  	[hbm4b:s15+s3] =	stream.linear.scatter [tilespmem:s21], [sflag:$0xE], $0x2800, $0x38;
	[tilespmem:$0x1A400] =	vst v63  }
0x7c: {  	_ =	swait.ge @p0 [sflag:s14], $0x2800  }
0x7d: {  	[sflag:s14] =	ssyncset.done @p0 $0x0  }
0x7e: {  	[sflag:s14] =	ssyncadd.s32 @p0 $0xFFFFD800;
	s14 =	simm.s32 @p0 $0x15400  }
0x7f: {  	[hbm4b:s8+s31] =	stream.linear.scatter @p0 [tilespmem:s14], [sflag:$0xF], $0x2800, $0x38;
	[tilespmem:$0x1A400] =	vst v63  }
0x80: {  	s14 =	simm.s32 @!p0 $0xD  }
0x81: {  	_ =	swait.ge @!p0 [sflag:s14], $0x2800  }
0x82: {  	[sflag:s14] =	ssyncset.done @!p0 $0x0  }
0x83: {  	[sflag:s14] =	ssyncadd.s32 @!p0 $0xFFFFD800;
	s14 =	sadd.s32 @!p0 $0x3C0, s22  }
0x84: {  	[tilespmem:s0], [sflag:$0x5] =	stream.indirect.gather @!p0 [hbm4b:s2+s10], $0x80, s14, s10, $0xb8;
	[tilespmem:$0x1A400] =	vst v63  }
0x85: {  	s0 =	simm.s32 @!p0 $0x7  }
0x86: {  	_ =	swait.ge @!p0 [sflag:s0], $0x2800  }
0x87: {  	[sflag:s0] =	ssyncset.done @!p0 $0x0  }
0x88: {  	s14 =	simm.s32 @!p0 $0x15400;
	[sflag:s0] =	ssyncadd.s32 @!p0 $0xFFFFD800;
	s0 =	sadd.s32 @!p0 $0xA00, s9  }
0x89: {  	[hbm4b:s0+s1] =	stream.linear.scatter @!p0 [tilespmem:s14], [sflag:$0xF], $0x2800, $0x38;
	[tilespmem:$0x1A400] =	vst v63  }
0x8a: {  	s0 =	simm.s32 @!p0 $0xE  }
0x8b: {  	_ =	swait.ge @!p0 [sflag:s0], $0x2800  }
0x8c: {  	[sflag:s0] =	ssyncset.done @!p0 $0x0  }
0x8d: {  	s1 =	simm.s32 @!p0 $0x12C00;
	[sflag:s0] =	ssyncadd.s32 @!p0 $0xFFFFD800;
	s0 =	sadd.s32 @!p0 $0x410, s22  }
0x8e: {  	[tilespmem:s1], [sflag:$0x6] =	stream.indirect.gather @!p0 [hbm4b:s2+s10], $0x80, s0, s10, $0xb8;
	[tilespmem:$0x1A400] =	vst v63  }
.Ltmp2:
0x8f: {  	_ = 	snop;
	(pc) =	sbr.rel @p0 .LBB2_4-.Ltmp2, $4  }
0x90: {  	_ =	swait.ge [sflag:s30], $0x2800  }
0x91: {  	[sflag:s30] =	ssyncset.done $0x0  }
0x92: {  	s31 =	sadd.s32 $0xF00, s9;
	[sflag:s30] =	ssyncadd.s32 $0xFFFFD800  }
0x93: {  	[hbm4b:s31+s3] =	stream.linear.scatter [tilespmem:s25], [sflag:$0x10], $0x2800, $0x38;
	[tilespmem:$0x1A400] =	vst v63  }
.Ltmp3:
0x94: {  	(pc) =	sbr.rel .LBB2_2-.Ltmp3, $4  }
0x95: {  	_ =	swait.ge [sflag:s18], $0x2800  }
0x96: {  	s0 =	sadd.s32 $0x460, s5;
	[sflag:s18] =	ssyncset.done $0x0  }
0x97: {  	s4 =	sadd.s32 $0xA00, s4;
	s9 =	sadd.s32 $0x2800, s9;
	[sflag:s18] =	ssyncadd.s32 $0xFFFFD800  }
0x98: {  	[tilespmem:s23], [sflag:$0x7] =	stream.indirect.gather [hbm4b:s2+s11], $0x80, s0, s11, $0xb8;
	[tilespmem:$0x1A400] =	vst v63  }
.LBB2_5:
0x99: {  	_ =	sfence.sel $0x180000  }
0x9a: {  	[bflag:$0x0] =	sbarrier.arrive $0xFFFF  }
0x9b: {  	_ =	strace $0x90000047  }
0x9c: {  	s0 =	stileid.u32;
	[bflag:$0x2] =	sbarrier.arrive $0xFFFF  }
0x9d: {  	p0 =	sne.s32 s0, $0x0;
	s0 =	rddreg [dreg:$0x3]  }
0x9e: {  	s0 =	sadd.s32 @!p0 $0x100000, s0  }
0x9f: {  	[sflag:s0] =	ssyncadd.tile.s32 @!p0 $0x1;
	_ =	shalt  }
.Lfunc_end2:
_tile_overlayer_lowered:
.L_overlay_start_2:
0xa0: {  	(tag) =	ssettag $0x2  }
0xa1: {  	s0 =	rddreg [dreg:$0x0];
	s2 =	stileid.u32  }
0xa2: {  	s1 =	rddreg [dreg:$0x1];
	p0 =	sne.s32 s2, $0x0  }
0xa3: {  	s3 =	rddreg [dreg:$0x2];
	[bflag:$0x3] =	sbarrier.arrive $0xFFFF;
	s2 =	simm.s32 @!p0 $0x1C11  }
0xa4: {  	[timem:s3], [sflag:s2] =	dma.local @!p0 [hbm:s0], s1  }
0xa5: {  	s0 =	simm.s32 @!p0 $0x11  }
0xa6: {  	_ =	swait.ge @!p0 [sflag:s0], s1  }
0xa7: {  	s1 =	ssub.s32 @!p0 $0x0, s1;
	[sflag:s0] =	ssyncset.done @!p0 $0x0  }
0xa8: {  	[sflag:s0] =	ssyncadd.s32 @!p0 s1  }
0xa9: {  	[bflag:$0x3] =	sbarrier.arrive $0xFFFF  }
0xaa: {  	_ =	shalt  }

</sc_bundles>
